<compile_context>
chip_gen: v7x
topology: tpu7x:2x2x1
jax: 0.10.2.dev20260603
libtpu: 0.0.44.dev20260713+nightly
codegen_flags: <defaults>
</compile_context>

<pallas_src>
import functools

import jax
import jax.numpy as jnp
from jax import lax
from jax.experimental import pallas as pl
from jax.experimental.pallas import tpu as pltpu
from jax.experimental.pallas import tpu_sc as plsc

N = 10000
E = 320000
F_IN = 128
CW = 48
C_REAL = 40
K_HOPS = 10

NC, NS = 2, 16
NW = NC * NS
EPC = 128
CPT = 80
EPT = CPT * EPC
E_PAD = NW * EPT
NR = 10112
RPT = NR // NS
NBUF = 4

_mesh = plsc.VectorSubcoreMesh(
    core_axis_name="c", subcore_axis_name="s", num_cores=NC, num_subcores=NS)



@functools.partial(
    pl.kernel,
    out_type=jax.ShapeDtypeStruct((NW, CPT, EPC), jnp.int32),
    mesh=_mesh,
    scratch_types=[
        pltpu.VMEM((CPT, EPC), jnp.int32),
        pltpu.VMEM((CPT, EPC), jnp.int32),
        pltpu.VMEM((CPT, EPC), jnp.int32),
    ],
)
def _sc_preproc(row_hbm, col_hbm, colp_hbm, rowv, colv, colpv):
    c = lax.axis_index("c")
    s = lax.axis_index("s")
    w = c * NS + s
    pltpu.sync_copy(row_hbm.at[w], rowv)
    pltpu.sync_copy(col_hbm.at[w], colv)

    trash = jnp.full((16,), N, jnp.int32)

    def mask_body(j, _):
        for l in range(EPC // 16):
            r = rowv[j, pl.ds(l * 16, 16)]
            cc = colv[j, pl.ds(l * 16, 16)]
            colpv[j, pl.ds(l * 16, 16)] = jnp.where(r != cc, cc, trash)
        return 0

    lax.fori_loop(0, CPT, mask_body, 0)
    pltpu.sync_copy(colpv, colp_hbm.at[w])


@functools.partial(
    pl.kernel,
    out_type=jax.ShapeDtypeStruct((NC, NR, CW), jnp.float32),
    mesh=_mesh,
    scratch_types=[
        pltpu.VMEM((CPT, EPC), jnp.int32),
        pltpu.VMEM((CPT, EPC), jnp.int32),
        pltpu.VMEM((NBUF, EPC, CW), jnp.float32),
        pltpu.VMEM_SHARED((NR, CW), jnp.float32),
        pltpu.VMEM_SHARED((NR, CW), jnp.float32),
        pltpu.SemaphoreType.DMA,
        pltpu.SemaphoreType.DMA,
        pltpu.SemaphoreType.DMA,
        pltpu.SemaphoreType.DMA,
        pltpu.SemaphoreType.DMA,
        pltpu.SemaphoreType.DMA,
        pltpu.SemaphoreType.DMA,
        pltpu.SemaphoreType.DMA,
    ],
    compiler_params=pltpu.CompilerParams(use_tc_tiling_on_sc=False),
)
def _sc_hop(y_hbm, row_hbm, colp_hbm, zeros_hbm,
            out_hbm, rowv, colv, bufs, acc, yrep,
            g0, g1, g2, g3, s0, s1, s2, s3):
    gsems = [g0, g1, g2, g3]
    ssems = [s0, s1, s2, s3]
    c = lax.axis_index("c")
    s = lax.axis_index("s")
    w = c * NS + s
    pltpu.sync_copy(row_hbm.at[w], rowv)
    pltpu.sync_copy(colp_hbm.at[w], colv)
    pltpu.sync_copy(zeros_hbm, acc.at[pl.ds(s * RPT, RPT)])
    pltpu.sync_copy(y_hbm.at[pl.ds(s * RPT, RPT)], yrep.at[pl.ds(s * RPT, RPT)])
    plsc.subcore_barrier()

    for b in range(NBUF - 1):
        pltpu.async_copy(yrep.at[rowv.at[b]], bufs.at[b], gsems[b])

    def body(g, _):
        for b in range(NBUF):
            j = g * NBUF + b
            nb = (b + NBUF - 1) % NBUF

            @pl.when(j + NBUF - 1 < CPT)
            def _():
                @pl.when(j > 0)
                def _():
                    pltpu.make_async_copy(
                        bufs.at[nb], acc.at[colv.at[j]], ssems[nb]).wait()
                pltpu.async_copy(
                    yrep.at[rowv.at[j + NBUF - 1]], bufs.at[nb], gsems[nb])

            pltpu.make_async_copy(
                yrep.at[rowv.at[j]], bufs.at[b], gsems[b]).wait()
            pltpu.async_copy(
                bufs.at[b], acc.at[colv.at[j]], ssems[b], add=True)
        return 0

    lax.fori_loop(0, CPT // NBUF, body, 0)
    for b in range(NBUF):
        pltpu.make_async_copy(bufs.at[b], acc.at[colv.at[0]], ssems[b]).wait()
    plsc.subcore_barrier()
    pltpu.sync_copy(acc.at[pl.ds(s * RPT, RPT)],
                    out_hbm.at[c, pl.ds(s * RPT, RPT)])



_GRID = NS


def _mlp_body(f_ref, w1t_ref, b1_ref, w2t_ref, b2_ref, x_ref):
    h = jnp.dot(f_ref[...], w1t_ref[...], preferred_element_type=jnp.float32)
    h = jnp.maximum(h + b1_ref[...], 0.0)
    x_ref[...] = jnp.dot(h, w2t_ref[...],
                         preferred_element_type=jnp.float32) + b2_ref[...]


def _tc_mlp(f_pad, w1t, b1, w2t, b2p):
    return pl.pallas_call(
        _mlp_body,
        grid=(_GRID,),
        in_specs=[
            pl.BlockSpec((RPT, F_IN), lambda i: (i, 0)),
            pl.BlockSpec((F_IN, F_IN), lambda i: (0, 0)),
            pl.BlockSpec((1, F_IN), lambda i: (0, 0)),
            pl.BlockSpec((F_IN, CW), lambda i: (0, 0)),
            pl.BlockSpec((1, CW), lambda i: (0, 0)),
        ],
        out_specs=pl.BlockSpec((RPT, CW), lambda i: (i, 0)),
        out_shape=jax.ShapeDtypeStruct((NR, CW), jnp.float32),
    )(f_pad, w1t, b1, w2t, b2p)


def _disinit_body(p_ref, x_ref, t0_ref, dis_ref, y0_ref, h0_ref):
    deg = (p_ref[0, :, 0] + p_ref[1, :, 0] + 1.0).reshape(-1, 1)
    dis = lax.rsqrt(deg)
    x = x_ref[...]
    dis_ref[...] = dis
    y0_ref[...] = dis * x
    h0_ref[...] = t0_ref[...] * x


def _tc_disinit(partials, x, t0):
    return pl.pallas_call(
        _disinit_body,
        grid=(_GRID,),
        in_specs=[
            pl.BlockSpec((NC, RPT, CW), lambda i: (0, i, 0)),
            pl.BlockSpec((RPT, CW), lambda i: (i, 0)),
            pl.BlockSpec((1, 1), lambda i: (0, 0)),
        ],
        out_specs=[
            pl.BlockSpec((RPT, 1), lambda i: (i, 0)),
            pl.BlockSpec((RPT, CW), lambda i: (i, 0)),
            pl.BlockSpec((RPT, CW), lambda i: (i, 0)),
        ],
        out_shape=[
            jax.ShapeDtypeStruct((NR, 1), jnp.float32),
            jax.ShapeDtypeStruct((NR, CW), jnp.float32),
            jax.ShapeDtypeStruct((NR, CW), jnp.float32),
        ],
    )(partials, x, t0)


def _combine_body(p_ref, y_ref, h_ref, dis_ref, tk_ref, h1_ref, y1_ref):
    dis = dis_ref[...]
    x1 = dis * (p_ref[0] + p_ref[1] + y_ref[...])
    h1_ref[...] = h_ref[...] + tk_ref[...] * x1
    y1_ref[...] = dis * x1


def _tc_combine(partials, y, h, dis, tk):
    return pl.pallas_call(
        _combine_body,
        grid=(_GRID,),
        in_specs=[
            pl.BlockSpec((NC, RPT, CW), lambda i: (0, i, 0)),
            pl.BlockSpec((RPT, CW), lambda i: (i, 0)),
            pl.BlockSpec((RPT, CW), lambda i: (i, 0)),
            pl.BlockSpec((RPT, 1), lambda i: (i, 0)),
            pl.BlockSpec((1, 1), lambda i: (0, 0)),
        ],
        out_specs=[
            pl.BlockSpec((RPT, CW), lambda i: (i, 0)),
            pl.BlockSpec((RPT, CW), lambda i: (i, 0)),
        ],
        out_shape=[
            jax.ShapeDtypeStruct((NR, CW), jnp.float32),
            jax.ShapeDtypeStruct((NR, CW), jnp.float32),
        ],
    )(partials, y, h, dis, tk)


def _softmax_body(h_ref, ls_ref, sm_ref):
    h = h_ref[...]
    col = lax.broadcasted_iota(jnp.int32, h.shape, 1)
    hm = jnp.where(col < C_REAL, h, -1e30)
    m = jnp.max(hm, axis=1, keepdims=True)
    e = jnp.exp(hm - m)
    ssum = jnp.sum(e, axis=1, keepdims=True)
    sm_ref[...] = e / ssum
    ls_ref[...] = (hm - m) - jnp.log(ssum)


def _tc_softmax(h):
    return pl.pallas_call(
        _softmax_body,
        grid=(_GRID,),
        in_specs=[pl.BlockSpec((RPT, CW), lambda i: (i, 0))],
        out_specs=[
            pl.BlockSpec((RPT, CW), lambda i: (i, 0)),
            pl.BlockSpec((RPT, CW), lambda i: (i, 0)),
        ],
        out_shape=[
            jax.ShapeDtypeStruct((NR, CW), jnp.float32),
            jax.ShapeDtypeStruct((NR, CW), jnp.float32),
        ],
    )(h)



def kernel(features, edge_index, W1, b1, W2, b2, temp):
    f32 = jnp.float32
    row = edge_index[0]
    col = edge_index[1]
    pad = E_PAD - E
    row3 = jnp.concatenate([row, jnp.zeros((pad,), jnp.int32)]).reshape(
        NW, CPT, EPC)
    col3 = jnp.concatenate([col, jnp.zeros((pad,), jnp.int32)]).reshape(
        NW, CPT, EPC)

    zeros_cw = jnp.zeros((RPT, CW), f32)

    colp3 = _sc_preproc(row3, col3)

    f_pad = jnp.concatenate(
        [features, jnp.zeros((NR - N, F_IN), f32)], axis=0)
    w2t = jnp.concatenate(
        [W2.T, jnp.zeros((W2.shape[1], CW - C_REAL), f32)], axis=1)
    b2p = jnp.concatenate([b2, jnp.zeros((CW - C_REAL,), f32)]).reshape(1, CW)

    x = _tc_mlp(f_pad, W1.T, b1.reshape(1, F_IN), w2t, b2p)

    ones_cw = jnp.ones((NR, CW), f32)
    zeros_cw_full = jnp.zeros((NR, CW), f32)
    zeros_1 = jnp.zeros((NR, 1), f32)
    t0 = temp[0].reshape(1, 1)

    def hop_body(k, carry):
        hk, yk, disk = carry
        partials = _sc_hop(yk, row3, colp3, zeros_cw)

        def init_branch(_):
            d1, y0, h0 = _tc_disinit(partials, x, t0)
            return (h0, y0, d1)

        def step_branch(_):
            tk = lax.dynamic_slice(temp, (k,), (1,)).reshape(1, 1)
            h1, y1 = _tc_combine(partials, yk, hk, disk, tk)
            return (h1, y1, disk)

        return lax.cond(k == 0, init_branch, step_branch, 0)

    h, y, dis = lax.fori_loop(
        0, K_HOPS + 1, hop_body, (zeros_cw_full, ones_cw, zeros_1))

    ls, sm = _tc_softmax(h)
    return ls[:N, :C_REAL], sm[:N, :C_REAL]

# --- scband reference (transcript-rebuilt; emitter-appended) ---
"""Pipeline reference for scband-gprgnn-48206712930317 (READ-ONLY COPY).

The authoritative reference and input builder live on the scoring server;
editing this copy changes nothing except your own understanding.
"""

import jax, jax.numpy as jnp
import numpy as np

N = 10000
E = 320000
F_IN = 128
HID = 128
C = 40
K = 10
ALPHA = 0.1


def _ppr_temp(K, alpha):
    TEMP = alpha * (1 - alpha) ** np.arange(K + 1)
    TEMP[-1] = (1 - alpha) ** K
    return jnp.asarray(TEMP, dtype=jnp.float32)


def setup_inputs(seed: int = 0) -> dict:
    key = jax.random.key(seed)
    k1, k2, k3, k4, k5, k6 = jax.random.split(key, 6)
    features = jax.random.normal(k1, (N, F_IN), dtype=jnp.float32)
    edge_index = jax.random.randint(k2, (2, E), 0, N, dtype=jnp.int32)
    b1_bound = 1.0 / np.sqrt(F_IN)
    b2_bound = 1.0 / np.sqrt(HID)
    W1 = jax.random.uniform(k3, (HID, F_IN), dtype=jnp.float32, minval=-b1_bound, maxval=b1_bound)
    b1 = jax.random.uniform(k4, (HID,), dtype=jnp.float32, minval=-b1_bound, maxval=b1_bound)
    W2 = jax.random.uniform(k5, (C, HID), dtype=jnp.float32, minval=-b2_bound, maxval=b2_bound)
    b2 = jax.random.uniform(k6, (C,), dtype=jnp.float32, minval=-b2_bound, maxval=b2_bound)
    temp = _ppr_temp(K, ALPHA)
    return {"features": features, "edge_index": edge_index, "W1": W1, "b1": b1, "W2": W2, "b2": b2, "temp": temp}


def _gcn_norm(edge_index, num_nodes, dtype):
    row, col = edge_index[0], edge_index[1]
    mask = row != col
    loop = jnp.arange(num_nodes, dtype=row.dtype)
    row = jnp.concatenate([row, loop])
    col = jnp.concatenate([col, loop])
    ew = jnp.concatenate([mask.astype(dtype), jnp.ones(num_nodes, dtype=dtype)])
    deg = jnp.zeros(num_nodes, dtype=dtype).at[col].add(ew)
    dis = deg ** -0.5
    dis = jnp.where(jnp.isinf(dis), jnp.zeros_like(dis), dis)
    norm = dis[row] * ew * dis[col]
    return row, col, norm


def reference(features, edge_index, W1, b1, W2, b2, temp):
    num_nodes = features.shape[0]
    row, col, norm = _gcn_norm(edge_index, num_nodes, features.dtype)
    # eval mode: dropout is identity
    x = jax.nn.relu(features @ W1.T + b1)
    x = x @ W2.T + b2
    hidden = x * temp[0]
    for k in range(K):
        msg = norm[:, None] * x[row]
        x = jnp.zeros((num_nodes, x.shape[1]), dtype=x.dtype).at[col].add(msg)
        hidden = hidden + temp[k + 1] * x
    return jax.nn.log_softmax(hidden, axis=1), jax.nn.softmax(hidden, axis=1)

if __name__ == "__main__":
    import jax
    _d = setup_inputs()
    print(jax.jit(kernel)(*tuple(_d.values())))

</pallas_src>

<mosaic_0001>
#map = affine_map<(d0, d1) -> (0, 0, 0)>
module attributes {stable_mosaic.version = 14 : i64} {
  func.func @_sc_preproc(%arg0: i32, %arg1: i32, %arg2: memref<32x80x128xi32, #tpu.memory_space<hbm>>, %arg3: memref<32x80x128xi32, #tpu.memory_space<hbm>>, %arg4: memref<32x80x128xi32, #tpu.memory_space<hbm>>, %arg5: memref<80x128xi32, #tpu.memory_space<vmem>>, %arg6: memref<80x128xi32, #tpu.memory_space<vmem>>, %arg7: memref<80x128xi32, #tpu.memory_space<vmem>>) attributes {dimension_semantics = [#tpu.dimension_semantics<core_parallel>, #tpu.dimension_semantics<subcore_parallel>], iteration_bounds = array<i64: 2, 16>, scalar_prefetch = 0 : i64, scratch_operands = 3 : i64, tpu.core_type = #tpu.core_type<sc_vector_subcore>, window_params = [{transform_indices = #map}, {transform_indices = #map}, {transform_indices = #map}]} {
    %mul3A = arith.constant 16 : i32
    %mul3A_0 = arith.muli %arg0, %mul3A : i32
    %add3A = arith.addi %mul3A_0, %arg1 : i32
    "tpu.region"() ({
      %run_scoped3A = tpu.sem_alloc : memref<!tpu.dma_semaphore, #tpu.memory_space<semaphore_mem>>
      %dma_start3A = arith.constant 0 : i32
      %dma_start3A_8 = arith.constant 0 : i32
      %dma_start3A_9 = tpu.memref_slice %arg2[%add3A, %dma_start3A, %dma_start3A_8] : memref<32x80x128xi32, #tpu.memory_space<hbm>> -> memref<1x80x128xi32, #tpu.memory_space<hbm>>
      %dma_start3A_10 = tpu.memref_squeeze %dma_start3A_9 : memref<1x80x128xi32, #tpu.memory_space<hbm>> -> memref<80x128xi32, #tpu.memory_space<hbm>>
      %dma_start3A_11 = arith.constant 0 : i32
      %dma_start3A_12 = arith.constant 0 : i32
      %dma_start3A_13 = tpu.memref_slice %arg2[%add3A, %dma_start3A_11, %dma_start3A_12] : memref<32x80x128xi32, #tpu.memory_space<hbm>> -> memref<1x80x128xi32, #tpu.memory_space<hbm>>
      %dma_start3A_14 = tpu.memref_squeeze %dma_start3A_13 : memref<1x80x128xi32, #tpu.memory_space<hbm>> -> memref<80x128xi32, #tpu.memory_space<hbm>>
      tpu.enqueue_dma source(%dma_start3A_14 : memref<80x128xi32, #tpu.memory_space<hbm>>) target(%arg5 : memref<80x128xi32, #tpu.memory_space<vmem>>) target_semaphore(%run_scoped3A : memref<!tpu.dma_semaphore, #tpu.memory_space<semaphore_mem>>)
      %dma_wait3A = arith.constant 0 : i32
      %dma_wait3A_15 = arith.constant 0 : i32
      %dma_wait3A_16 = tpu.memref_slice %arg2[%add3A, %dma_wait3A, %dma_wait3A_15] : memref<32x80x128xi32, #tpu.memory_space<hbm>> -> memref<1x80x128xi32, #tpu.memory_space<hbm>>
      %dma_wait3A_17 = tpu.memref_squeeze %dma_wait3A_16 : memref<1x80x128xi32, #tpu.memory_space<hbm>> -> memref<80x128xi32, #tpu.memory_space<hbm>>
      %dma_wait3A_18 = arith.constant 0 : i32
      %dma_wait3A_19 = arith.constant 0 : i32
      %dma_wait3A_20 = tpu.memref_slice %arg2[%add3A, %dma_wait3A_18, %dma_wait3A_19] : memref<32x80x128xi32, #tpu.memory_space<hbm>> -> memref<1x80x128xi32, #tpu.memory_space<hbm>>
      %dma_wait3A_21 = tpu.memref_squeeze %dma_wait3A_20 : memref<1x80x128xi32, #tpu.memory_space<hbm>> -> memref<80x128xi32, #tpu.memory_space<hbm>>
      tpu.wait_dma2 semaphore(%run_scoped3A : memref<!tpu.dma_semaphore, #tpu.memory_space<semaphore_mem>>) src(%dma_wait3A_21 : memref<80x128xi32, #tpu.memory_space<hbm>>) dst(%arg5 : memref<80x128xi32, #tpu.memory_space<vmem>>)
      tpu.yield
    }) : () -> ()
    "tpu.region"() ({
      %run_scoped3A = tpu.sem_alloc : memref<!tpu.dma_semaphore, #tpu.memory_space<semaphore_mem>>
      %dma_start3A = arith.constant 0 : i32
      %dma_start3A_8 = arith.constant 0 : i32
      %dma_start3A_9 = tpu.memref_slice %arg3[%add3A, %dma_start3A, %dma_start3A_8] : memref<32x80x128xi32, #tpu.memory_space<hbm>> -> memref<1x80x128xi32, #tpu.memory_space<hbm>>
      %dma_start3A_10 = tpu.memref_squeeze %dma_start3A_9 : memref<1x80x128xi32, #tpu.memory_space<hbm>> -> memref<80x128xi32, #tpu.memory_space<hbm>>
      %dma_start3A_11 = arith.constant 0 : i32
      %dma_start3A_12 = arith.constant 0 : i32
      %dma_start3A_13 = tpu.memref_slice %arg3[%add3A, %dma_start3A_11, %dma_start3A_12] : memref<32x80x128xi32, #tpu.memory_space<hbm>> -> memref<1x80x128xi32, #tpu.memory_space<hbm>>
      %dma_start3A_14 = tpu.memref_squeeze %dma_start3A_13 : memref<1x80x128xi32, #tpu.memory_space<hbm>> -> memref<80x128xi32, #tpu.memory_space<hbm>>
      tpu.enqueue_dma source(%dma_start3A_14 : memref<80x128xi32, #tpu.memory_space<hbm>>) target(%arg6 : memref<80x128xi32, #tpu.memory_space<vmem>>) target_semaphore(%run_scoped3A : memref<!tpu.dma_semaphore, #tpu.memory_space<semaphore_mem>>)
      %dma_wait3A = arith.constant 0 : i32
      %dma_wait3A_15 = arith.constant 0 : i32
      %dma_wait3A_16 = tpu.memref_slice %arg3[%add3A, %dma_wait3A, %dma_wait3A_15] : memref<32x80x128xi32, #tpu.memory_space<hbm>> -> memref<1x80x128xi32, #tpu.memory_space<hbm>>
      %dma_wait3A_17 = tpu.memref_squeeze %dma_wait3A_16 : memref<1x80x128xi32, #tpu.memory_space<hbm>> -> memref<80x128xi32, #tpu.memory_space<hbm>>
      %dma_wait3A_18 = arith.constant 0 : i32
      %dma_wait3A_19 = arith.constant 0 : i32
      %dma_wait3A_20 = tpu.memref_slice %arg3[%add3A, %dma_wait3A_18, %dma_wait3A_19] : memref<32x80x128xi32, #tpu.memory_space<hbm>> -> memref<1x80x128xi32, #tpu.memory_space<hbm>>
      %dma_wait3A_21 = tpu.memref_squeeze %dma_wait3A_20 : memref<1x80x128xi32, #tpu.memory_space<hbm>> -> memref<80x128xi32, #tpu.memory_space<hbm>>
      tpu.wait_dma2 semaphore(%run_scoped3A : memref<!tpu.dma_semaphore, #tpu.memory_space<semaphore_mem>>) src(%dma_wait3A_21 : memref<80x128xi32, #tpu.memory_space<hbm>>) dst(%arg6 : memref<80x128xi32, #tpu.memory_space<vmem>>)
      tpu.yield
    }) : () -> ()
    %broadcast_in_dim3A = arith.constant 10000 : i32
    %broadcast_in_dim3A_1 = vector.broadcast %broadcast_in_dim3A : i32 to vector<16xi32>
    %scan3A = arith.constant 0 : i32
    %scan3A_2 = arith.constant 0 : i32
    %scan3A_3 = arith.constant 80 : i32
    %scan3A_4 = arith.addi %scan3A_2, %scan3A_3 : i32
    %scan3A_5 = arith.constant 1 : i32
    %scan3A_6 = scf.for %scan3A_8 = %scan3A_2 to %scan3A_4 step %scan3A_5 iter_args(%scan3A_9 = %scan3A) -> (i32)  : i32 {
      %get3A = arith.index_cast %scan3A_8 : i32 to index
      %get3A_10 = arith.constant 0 : index
      %get3A_11 = tpu.vector_load %arg5[%get3A, %get3A_10] {strides = array<i32>} : memref<80x128xi32, #tpu.memory_space<vmem>>, vector<1x16xi32>,
      %get3A_12 = vector.shape_cast %get3A_11 : vector<1x16xi32> to vector<16xi32>
      %get3A_13 = arith.index_cast %scan3A_8 : i32 to index
      %get3A_14 = arith.constant 0 : index
      %get3A_15 = tpu.vector_load %arg6[%get3A_13, %get3A_14] {strides = array<i32>} : memref<80x128xi32, #tpu.memory_space<vmem>>, vector<1x16xi32>,
      %get3A_16 = vector.shape_cast %get3A_15 : vector<1x16xi32> to vector<16xi32>
      %ne3A = arith.cmpi ne, %get3A_12, %get3A_16 : vector<16xi32>
      %select_n3A = arith.select %ne3A, %get3A_16, %broadcast_in_dim3A_1 : vector<16xi1>, vector<16xi32>
      %swap3A = arith.index_cast %scan3A_8 : i32 to index
      %swap3A_17 = arith.constant 0 : index
      %swap3A_18 = tpu.vector_load %arg7[%swap3A, %swap3A_17] {strides = array<i32>} : memref<80x128xi32, #tpu.memory_space<vmem>>, vector<1x16xi32>,
      %swap3A_19 = vector.shape_cast %swap3A_18 : vector<1x16xi32> to vector<16xi32>
      %swap3A_20 = vector.shape_cast %select_n3A : vector<16xi32> to vector<1x16xi32>
      tpu.vector_store %arg7[%swap3A, %swap3A_17], %swap3A_20 {strides = array<i32>} : memref<80x128xi32, #tpu.memory_space<vmem>>, vector<1x16xi32>,
      %get3A_21 = arith.index_cast %scan3A_8 : i32 to index
      %get3A_22 = arith.constant 16 : index
      %get3A_23 = tpu.vector_load %arg5[%get3A_21, %get3A_22] {strides = array<i32>} : memref<80x128xi32, #tpu.memory_space<vmem>>, vector<1x16xi32>,
      %get3A_24 = vector.shape_cast %get3A_23 : vector<1x16xi32> to vector<16xi32>
      %get3A_25 = arith.index_cast %scan3A_8 : i32 to index
      %get3A_26 = arith.constant 16 : index
      %get3A_27 = tpu.vector_load %arg6[%get3A_25, %get3A_26] {strides = array<i32>} : memref<80x128xi32, #tpu.memory_space<vmem>>, vector<1x16xi32>,
      %get3A_28 = vector.shape_cast %get3A_27 : vector<1x16xi32> to vector<16xi32>
      %ne3A_29 = arith.cmpi ne, %get3A_24, %get3A_28 : vector<16xi32>
      %select_n3A_30 = arith.select %ne3A_29, %get3A_28, %broadcast_in_dim3A_1 : vector<16xi1>, vector<16xi32>
      %swap3A_31 = arith.index_cast %scan3A_8 : i32 to index
      %swap3A_32 = arith.constant 16 : index
      %swap3A_33 = tpu.vector_load %arg7[%swap3A_31, %swap3A_32] {strides = array<i32>} : memref<80x128xi32, #tpu.memory_space<vmem>>, vector<1x16xi32>,
      %swap3A_34 = vector.shape_cast %swap3A_33 : vector<1x16xi32> to vector<16xi32>
      %swap3A_35 = vector.shape_cast %select_n3A_30 : vector<16xi32> to vector<1x16xi32>
      tpu.vector_store %arg7[%swap3A_31, %swap3A_32], %swap3A_35 {strides = array<i32>} : memref<80x128xi32, #tpu.memory_space<vmem>>, vector<1x16xi32>,
      %get3A_36 = arith.index_cast %scan3A_8 : i32 to index
      %get3A_37 = arith.constant 32 : index
      %get3A_38 = tpu.vector_load %arg5[%get3A_36, %get3A_37] {strides = array<i32>} : memref<80x128xi32, #tpu.memory_space<vmem>>, vector<1x16xi32>,
      %get3A_39 = vector.shape_cast %get3A_38 : vector<1x16xi32> to vector<16xi32>
      %get3A_40 = arith.index_cast %scan3A_8 : i32 to index
      %get3A_41 = arith.constant 32 : index
      %get3A_42 = tpu.vector_load %arg6[%get3A_40, %get3A_41] {strides = array<i32>} : memref<80x128xi32, #tpu.memory_space<vmem>>, vector<1x16xi32>,
      %get3A_43 = vector.shape_cast %get3A_42 : vector<1x16xi32> to vector<16xi32>
      %ne3A_44 = arith.cmpi ne, %get3A_39, %get3A_43 : vector<16xi32>
      %select_n3A_45 = arith.select %ne3A_44, %get3A_43, %broadcast_in_dim3A_1 : vector<16xi1>, vector<16xi32>
      %swap3A_46 = arith.index_cast %scan3A_8 : i32 to index
      %swap3A_47 = arith.constant 32 : index
      %swap3A_48 = tpu.vector_load %arg7[%swap3A_46, %swap3A_47] {strides = array<i32>} : memref<80x128xi32, #tpu.memory_space<vmem>>, vector<1x16xi32>,
      %swap3A_49 = vector.shape_cast %swap3A_48 : vector<1x16xi32> to vector<16xi32>
      %swap3A_50 = vector.shape_cast %select_n3A_45 : vector<16xi32> to vector<1x16xi32>
      tpu.vector_store %arg7[%swap3A_46, %swap3A_47], %swap3A_50 {strides = array<i32>} : memref<80x128xi32, #tpu.memory_space<vmem>>, vector<1x16xi32>,
      %get3A_51 = arith.index_cast %scan3A_8 : i32 to index
      %get3A_52 = arith.constant 48 : index
      %get3A_53 = tpu.vector_load %arg5[%get3A_51, %get3A_52] {strides = array<i32>} : memref<80x128xi32, #tpu.memory_space<vmem>>, vector<1x16xi32>,
      %get3A_54 = vector.shape_cast %get3A_53 : vector<1x16xi32> to vector<16xi32>
      %get3A_55 = arith.index_cast %scan3A_8 : i32 to index
      %get3A_56 = arith.constant 48 : index
      %get3A_57 = tpu.vector_load %arg6[%get3A_55, %get3A_56] {strides = array<i32>} : memref<80x128xi32, #tpu.memory_space<vmem>>, vector<1x16xi32>,
      %get3A_58 = vector.shape_cast %get3A_57 : vector<1x16xi32> to vector<16xi32>
      %ne3A_59 = arith.cmpi ne, %get3A_54, %get3A_58 : vector<16xi32>
      %select_n3A_60 = arith.select %ne3A_59, %get3A_58, %broadcast_in_dim3A_1 : vector<16xi1>, vector<16xi32>
      %swap3A_61 = arith.index_cast %scan3A_8 : i32 to index
      %swap3A_62 = arith.constant 48 : index
      %swap3A_63 = tpu.vector_load %arg7[%swap3A_61, %swap3A_62] {strides = array<i32>} : memref<80x128xi32, #tpu.memory_space<vmem>>, vector<1x16xi32>,
      %swap3A_64 = vector.shape_cast %swap3A_63 : vector<1x16xi32> to vector<16xi32>
      %swap3A_65 = vector.shape_cast %select_n3A_60 : vector<16xi32> to vector<1x16xi32>
      tpu.vector_store %arg7[%swap3A_61, %swap3A_62], %swap3A_65 {strides = array<i32>} : memref<80x128xi32, #tpu.memory_space<vmem>>, vector<1x16xi32>,
      %get3A_66 = arith.index_cast %scan3A_8 : i32 to index
      %get3A_67 = arith.constant 64 : index
      %get3A_68 = tpu.vector_load %arg5[%get3A_66, %get3A_67] {strides = array<i32>} : memref<80x128xi32, #tpu.memory_space<vmem>>, vector<1x16xi32>,
      %get3A_69 = vector.shape_cast %get3A_68 : vector<1x16xi32> to vector<16xi32>
      %get3A_70 = arith.index_cast %scan3A_8 : i32 to index
      %get3A_71 = arith.constant 64 : index
      %get3A_72 = tpu.vector_load %arg6[%get3A_70, %get3A_71] {strides = array<i32>} : memref<80x128xi32, #tpu.memory_space<vmem>>, vector<1x16xi32>,
      %get3A_73 = vector.shape_cast %get3A_72 : vector<1x16xi32> to vector<16xi32>
      %ne3A_74 = arith.cmpi ne, %get3A_69, %get3A_73 : vector<16xi32>
      %select_n3A_75 = arith.select %ne3A_74, %get3A_73, %broadcast_in_dim3A_1 : vector<16xi1>, vector<16xi32>
      %swap3A_76 = arith.index_cast %scan3A_8 : i32 to index
      %swap3A_77 = arith.constant 64 : index
      %swap3A_78 = tpu.vector_load %arg7[%swap3A_76, %swap3A_77] {strides = array<i32>} : memref<80x128xi32, #tpu.memory_space<vmem>>, vector<1x16xi32>,
      %swap3A_79 = vector.shape_cast %swap3A_78 : vector<1x16xi32> to vector<16xi32>
      %swap3A_80 = vector.shape_cast %select_n3A_75 : vector<16xi32> to vector<1x16xi32>
      tpu.vector_store %arg7[%swap3A_76, %swap3A_77], %swap3A_80 {strides = array<i32>} : memref<80x128xi32, #tpu.memory_space<vmem>>, vector<1x16xi32>,
      %get3A_81 = arith.index_cast %scan3A_8 : i32 to index
      %get3A_82 = arith.constant 80 : index
      %get3A_83 = tpu.vector_load %arg5[%get3A_81, %get3A_82] {strides = array<i32>} : memref<80x128xi32, #tpu.memory_space<vmem>>, vector<1x16xi32>,
      %get3A_84 = vector.shape_cast %get3A_83 : vector<1x16xi32> to vector<16xi32>
      %get3A_85 = arith.index_cast %scan3A_8 : i32 to index
      %get3A_86 = arith.constant 80 : index
      %get3A_87 = tpu.vector_load %arg6[%get3A_85, %get3A_86] {strides = array<i32>} : memref<80x128xi32, #tpu.memory_space<vmem>>, vector<1x16xi32>,
      %get3A_88 = vector.shape_cast %get3A_87 : vector<1x16xi32> to vector<16xi32>
      %ne3A_89 = arith.cmpi ne, %get3A_84, %get3A_88 : vector<16xi32>
      %select_n3A_90 = arith.select %ne3A_89, %get3A_88, %broadcast_in_dim3A_1 : vector<16xi1>, vector<16xi32>
      %swap3A_91 = arith.index_cast %scan3A_8 : i32 to index
      %swap3A_92 = arith.constant 80 : index
      %swap3A_93 = tpu.vector_load %arg7[%swap3A_91, %swap3A_92] {strides = array<i32>} : memref<80x128xi32, #tpu.memory_space<vmem>>, vector<1x16xi32>,
      %swap3A_94 = vector.shape_cast %swap3A_93 : vector<1x16xi32> to vector<16xi32>
      %swap3A_95 = vector.shape_cast %select_n3A_90 : vector<16xi32> to vector<1x16xi32>
      tpu.vector_store %arg7[%swap3A_91, %swap3A_92], %swap3A_95 {strides = array<i32>} : memref<80x128xi32, #tpu.memory_space<vmem>>, vector<1x16xi32>,
      %get3A_96 = arith.index_cast %scan3A_8 : i32 to index
      %get3A_97 = arith.constant 96 : index
      %get3A_98 = tpu.vector_load %arg5[%get3A_96, %get3A_97] {strides = array<i32>} : memref<80x128xi32, #tpu.memory_space<vmem>>, vector<1x16xi32>,
      %get3A_99 = vector.shape_cast %get3A_98 : vector<1x16xi32> to vector<16xi32>
      %get3A_100 = arith.index_cast %scan3A_8 : i32 to index
      %get3A_101 = arith.constant 96 : index
      %get3A_102 = tpu.vector_load %arg6[%get3A_100, %get3A_101] {strides = array<i32>} : memref<80x128xi32, #tpu.memory_space<vmem>>, vector<1x16xi32>,
      %get3A_103 = vector.shape_cast %get3A_102 : vector<1x16xi32> to vector<16xi32>
      %ne3A_104 = arith.cmpi ne, %get3A_99, %get3A_103 : vector<16xi32>
      %select_n3A_105 = arith.select %ne3A_104, %get3A_103, %broadcast_in_dim3A_1 : vector<16xi1>, vector<16xi32>
      %swap3A_106 = arith.index_cast %scan3A_8 : i32 to index
      %swap3A_107 = arith.constant 96 : index
      %swap3A_108 = tpu.vector_load %arg7[%swap3A_106, %swap3A_107] {strides = array<i32>} : memref<80x128xi32, #tpu.memory_space<vmem>>, vector<1x16xi32>,
      %swap3A_109 = vector.shape_cast %swap3A_108 : vector<1x16xi32> to vector<16xi32>
      %swap3A_110 = vector.shape_cast %select_n3A_105 : vector<16xi32> to vector<1x16xi32>
      tpu.vector_store %arg7[%swap3A_106, %swap3A_107], %swap3A_110 {strides = array<i32>} : memref<80x128xi32, #tpu.memory_space<vmem>>, vector<1x16xi32>,
      %get3A_111 = arith.index_cast %scan3A_8 : i32 to index
      %get3A_112 = arith.constant 112 : index
      %get3A_113 = tpu.vector_load %arg5[%get3A_111, %get3A_112] {strides = array<i32>} : memref<80x128xi32, #tpu.memory_space<vmem>>, vector<1x16xi32>,
      %get3A_114 = vector.shape_cast %get3A_113 : vector<1x16xi32> to vector<16xi32>
      %get3A_115 = arith.index_cast %scan3A_8 : i32 to index
      %get3A_116 = arith.constant 112 : index
      %get3A_117 = tpu.vector_load %arg6[%get3A_115, %get3A_116] {strides = array<i32>} : memref<80x128xi32, #tpu.memory_space<vmem>>, vector<1x16xi32>,
      %get3A_118 = vector.shape_cast %get3A_117 : vector<1x16xi32> to vector<16xi32>
      %ne3A_119 = arith.cmpi ne, %get3A_114, %get3A_118 : vector<16xi32>
      %select_n3A_120 = arith.select %ne3A_119, %get3A_118, %broadcast_in_dim3A_1 : vector<16xi1>, vector<16xi32>
      %swap3A_121 = arith.index_cast %scan3A_8 : i32 to index
      %swap3A_122 = arith.constant 112 : index
      %swap3A_123 = tpu.vector_load %arg7[%swap3A_121, %swap3A_122] {strides = array<i32>} : memref<80x128xi32, #tpu.memory_space<vmem>>, vector<1x16xi32>,
      %swap3A_124 = vector.shape_cast %swap3A_123 : vector<1x16xi32> to vector<16xi32>
      %swap3A_125 = vector.shape_cast %select_n3A_120 : vector<16xi32> to vector<1x16xi32>
      tpu.vector_store %arg7[%swap3A_121, %swap3A_122], %swap3A_125 {strides = array<i32>} : memref<80x128xi32, #tpu.memory_space<vmem>>, vector<1x16xi32>,
      %scan3A_126 = arith.constant 0 : i32
      scf.yield %scan3A_126 : i32
    }
    %scan3A_7 = arith.constant 80 : i32
    "tpu.region"() ({
      %run_scoped3A = tpu.sem_alloc : memref<!tpu.dma_semaphore, #tpu.memory_space<semaphore_mem>>
      %dma_start3A = arith.constant 0 : i32
      %dma_start3A_8 = arith.constant 0 : i32
      %dma_start3A_9 = tpu.memref_slice %arg4[%add3A, %dma_start3A, %dma_start3A_8] : memref<32x80x128xi32, #tpu.memory_space<hbm>> -> memref<1x80x128xi32, #tpu.memory_space<hbm>>
      %dma_start3A_10 = tpu.memref_squeeze %dma_start3A_9 : memref<1x80x128xi32, #tpu.memory_space<hbm>> -> memref<80x128xi32, #tpu.memory_space<hbm>>
      %dma_start3A_11 = arith.constant 0 : i32
      %dma_start3A_12 = arith.constant 0 : i32
      %dma_start3A_13 = tpu.memref_slice %arg4[%add3A, %dma_start3A_11, %dma_start3A_12] : memref<32x80x128xi32, #tpu.memory_space<hbm>> -> memref<1x80x128xi32, #tpu.memory_space<hbm>>
      %dma_start3A_14 = tpu.memref_squeeze %dma_start3A_13 : memref<1x80x128xi32, #tpu.memory_space<hbm>> -> memref<80x128xi32, #tpu.memory_space<hbm>>
      tpu.enqueue_dma source(%arg7 : memref<80x128xi32, #tpu.memory_space<vmem>>) target(%dma_start3A_14 : memref<80x128xi32, #tpu.memory_space<hbm>>) target_semaphore(%run_scoped3A : memref<!tpu.dma_semaphore, #tpu.memory_space<semaphore_mem>>)
      %dma_wait3A = arith.constant 0 : i32
      %dma_wait3A_15 = arith.constant 0 : i32
      %dma_wait3A_16 = tpu.memref_slice %arg4[%add3A, %dma_wait3A, %dma_wait3A_15] : memref<32x80x128xi32, #tpu.memory_space<hbm>> -> memref<1x80x128xi32, #tpu.memory_space<hbm>>
      %dma_wait3A_17 = tpu.memref_squeeze %dma_wait3A_16 : memref<1x80x128xi32, #tpu.memory_space<hbm>> -> memref<80x128xi32, #tpu.memory_space<hbm>>
      %dma_wait3A_18 = arith.constant 0 : i32
      %dma_wait3A_19 = arith.constant 0 : i32
      %dma_wait3A_20 = tpu.memref_slice %arg4[%add3A, %dma_wait3A_18, %dma_wait3A_19] : memref<32x80x128xi32, #tpu.memory_space<hbm>> -> memref<1x80x128xi32, #tpu.memory_space<hbm>>
      %dma_wait3A_21 = tpu.memref_squeeze %dma_wait3A_20 : memref<1x80x128xi32, #tpu.memory_space<hbm>> -> memref<80x128xi32, #tpu.memory_space<hbm>>
      tpu.wait_dma2 semaphore(%run_scoped3A : memref<!tpu.dma_semaphore, #tpu.memory_space<semaphore_mem>>) src(%arg7 : memref<80x128xi32, #tpu.memory_space<vmem>>) dst(%dma_wait3A_21 : memref<80x128xi32, #tpu.memory_space<hbm>>)
      tpu.yield
    }) : () -> ()
    return
  }
}

#map = affine_map<(d0, d1) -> (0, 0)>
#map1 = affine_map<(d0, d1) -> (0, 0, 0)>
module attributes {stable_mosaic.version = 14 : i64} {
  func.func @_sc_hop(%arg0: i32, %arg1: i32, %arg2: memref<10112x48xf32, #tpu.memory_space<hbm>>, %arg3: memref<32x80x128xi32, #tpu.memory_space<hbm>>, %arg4: memref<32x80x128xi32, #tpu.memory_space<hbm>>, %arg5: memref<632x48xf32, #tpu.memory_space<hbm>>, %arg6: memref<2x10112x48xf32, #tpu.memory_space<hbm>>, %arg7: memref<80x128xi32, #tpu.memory_space<vmem>>, %arg8: memref<80x128xi32, #tpu.memory_space<vmem>>, %arg9: memref<4x128x48xf32, #tpu.memory_space<vmem>>, %arg10: memref<10112x48xf32, #tpu.memory_space<vmem_shared>>, %arg11: memref<10112x48xf32, #tpu.memory_space<vmem_shared>>, %arg12: memref<!tpu.dma_semaphore, #tpu.memory_space<semaphore_mem>>, %arg13: memref<!tpu.dma_semaphore, #tpu.memory_space<semaphore_mem>>, %arg14: memref<!tpu.dma_semaphore, #tpu.memory_space<semaphore_mem>>, %arg15: memref<!tpu.dma_semaphore, #tpu.memory_space<semaphore_mem>>, %arg16: memref<!tpu.dma_semaphore, #tpu.memory_space<semaphore_mem>>, %arg17: memref<!tpu.dma_semaphore, #tpu.memory_space<semaphore_mem>>, %arg18: memref<!tpu.dma_semaphore, #tpu.memory_space<semaphore_mem>>, %arg19: memref<!tpu.dma_semaphore, #tpu.memory_space<semaphore_mem>>) attributes {dimension_semantics = [#tpu.dimension_semantics<core_parallel>, #tpu.dimension_semantics<subcore_parallel>], iteration_bounds = array<i64: 2, 16>, scalar_prefetch = 0 : i64, scratch_operands = 13 : i64, tpu.core_type = #tpu.core_type<sc_vector_subcore>, window_params = [{transform_indices = #map}, {transform_indices = #map1}, {transform_indices = #map1}, {transform_indices = #map}, {transform_indices = #map1}]} {
    %mul3A = arith.constant 16 : i32
    %mul3A_0 = arith.muli %arg0, %mul3A : i32
    %add3A = arith.addi %mul3A_0, %arg1 : i32
    "tpu.region"() ({
      %run_scoped3A = tpu.sem_alloc : memref<!tpu.dma_semaphore, #tpu.memory_space<semaphore_mem>>
      %dma_start3A_100 = arith.constant 0 : i32
      %dma_start3A_101 = arith.constant 0 : i32
      %dma_start3A_102 = tpu.memref_slice %arg3[%add3A, %dma_start3A_100, %dma_start3A_101] : memref<32x80x128xi32, #tpu.memory_space<hbm>> -> memref<1x80x128xi32, #tpu.memory_space<hbm>>
      %dma_start3A_103 = tpu.memref_squeeze %dma_start3A_102 : memref<1x80x128xi32, #tpu.memory_space<hbm>> -> memref<80x128xi32, #tpu.memory_space<hbm>>
      %dma_start3A_104 = arith.constant 0 : i32
      %dma_start3A_105 = arith.constant 0 : i32
      %dma_start3A_106 = tpu.memref_slice %arg3[%add3A, %dma_start3A_104, %dma_start3A_105] : memref<32x80x128xi32, #tpu.memory_space<hbm>> -> memref<1x80x128xi32, #tpu.memory_space<hbm>>
      %dma_start3A_107 = tpu.memref_squeeze %dma_start3A_106 : memref<1x80x128xi32, #tpu.memory_space<hbm>> -> memref<80x128xi32, #tpu.memory_space<hbm>>
      tpu.enqueue_dma source(%dma_start3A_107 : memref<80x128xi32, #tpu.memory_space<hbm>>) target(%arg7 : memref<80x128xi32, #tpu.memory_space<vmem>>) target_semaphore(%run_scoped3A : memref<!tpu.dma_semaphore, #tpu.memory_space<semaphore_mem>>)
      %dma_wait3A_108 = arith.constant 0 : i32
      %dma_wait3A_109 = arith.constant 0 : i32
      %dma_wait3A_110 = tpu.memref_slice %arg3[%add3A, %dma_wait3A_108, %dma_wait3A_109] : memref<32x80x128xi32, #tpu.memory_space<hbm>> -> memref<1x80x128xi32, #tpu.memory_space<hbm>>
      %dma_wait3A_111 = tpu.memref_squeeze %dma_wait3A_110 : memref<1x80x128xi32, #tpu.memory_space<hbm>> -> memref<80x128xi32, #tpu.memory_space<hbm>>
      %dma_wait3A_112 = arith.constant 0 : i32
      %dma_wait3A_113 = arith.constant 0 : i32
      %dma_wait3A_114 = tpu.memref_slice %arg3[%add3A, %dma_wait3A_112, %dma_wait3A_113] : memref<32x80x128xi32, #tpu.memory_space<hbm>> -> memref<1x80x128xi32, #tpu.memory_space<hbm>>
      %dma_wait3A_115 = tpu.memref_squeeze %dma_wait3A_114 : memref<1x80x128xi32, #tpu.memory_space<hbm>> -> memref<80x128xi32, #tpu.memory_space<hbm>>
      tpu.wait_dma2 semaphore(%run_scoped3A : memref<!tpu.dma_semaphore, #tpu.memory_space<semaphore_mem>>) src(%dma_wait3A_115 : memref<80x128xi32, #tpu.memory_space<hbm>>) dst(%arg7 : memref<80x128xi32, #tpu.memory_space<vmem>>)
      tpu.yield
    }) : () -> ()
    "tpu.region"() ({
      %run_scoped3A = tpu.sem_alloc : memref<!tpu.dma_semaphore, #tpu.memory_space<semaphore_mem>>
      %dma_start3A_100 = arith.constant 0 : i32
      %dma_start3A_101 = arith.constant 0 : i32
      %dma_start3A_102 = tpu.memref_slice %arg4[%add3A, %dma_start3A_100, %dma_start3A_101] : memref<32x80x128xi32, #tpu.memory_space<hbm>> -> memref<1x80x128xi32, #tpu.memory_space<hbm>>
      %dma_start3A_103 = tpu.memref_squeeze %dma_start3A_102 : memref<1x80x128xi32, #tpu.memory_space<hbm>> -> memref<80x128xi32, #tpu.memory_space<hbm>>
      %dma_start3A_104 = arith.constant 0 : i32
      %dma_start3A_105 = arith.constant 0 : i32
      %dma_start3A_106 = tpu.memref_slice %arg4[%add3A, %dma_start3A_104, %dma_start3A_105] : memref<32x80x128xi32, #tpu.memory_space<hbm>> -> memref<1x80x128xi32, #tpu.memory_space<hbm>>
      %dma_start3A_107 = tpu.memref_squeeze %dma_start3A_106 : memref<1x80x128xi32, #tpu.memory_space<hbm>> -> memref<80x128xi32, #tpu.memory_space<hbm>>
      tpu.enqueue_dma source(%dma_start3A_107 : memref<80x128xi32, #tpu.memory_space<hbm>>) target(%arg8 : memref<80x128xi32, #tpu.memory_space<vmem>>) target_semaphore(%run_scoped3A : memref<!tpu.dma_semaphore, #tpu.memory_space<semaphore_mem>>)
      %dma_wait3A_108 = arith.constant 0 : i32
      %dma_wait3A_109 = arith.constant 0 : i32
      %dma_wait3A_110 = tpu.memref_slice %arg4[%add3A, %dma_wait3A_108, %dma_wait3A_109] : memref<32x80x128xi32, #tpu.memory_space<hbm>> -> memref<1x80x128xi32, #tpu.memory_space<hbm>>
      %dma_wait3A_111 = tpu.memref_squeeze %dma_wait3A_110 : memref<1x80x128xi32, #tpu.memory_space<hbm>> -> memref<80x128xi32, #tpu.memory_space<hbm>>
      %dma_wait3A_112 = arith.constant 0 : i32
      %dma_wait3A_113 = arith.constant 0 : i32
      %dma_wait3A_114 = tpu.memref_slice %arg4[%add3A, %dma_wait3A_112, %dma_wait3A_113] : memref<32x80x128xi32, #tpu.memory_space<hbm>> -> memref<1x80x128xi32, #tpu.memory_space<hbm>>
      %dma_wait3A_115 = tpu.memref_squeeze %dma_wait3A_114 : memref<1x80x128xi32, #tpu.memory_space<hbm>> -> memref<80x128xi32, #tpu.memory_space<hbm>>
      tpu.wait_dma2 semaphore(%run_scoped3A : memref<!tpu.dma_semaphore, #tpu.memory_space<semaphore_mem>>) src(%dma_wait3A_115 : memref<80x128xi32, #tpu.memory_space<hbm>>) dst(%arg8 : memref<80x128xi32, #tpu.memory_space<vmem>>)
      tpu.yield
    }) : () -> ()
    %mul3A_1 = arith.constant 632 : i32
    %mul3A_2 = arith.muli %arg1, %mul3A_1 : i32
    "tpu.region"() ({
      %run_scoped3A = tpu.sem_alloc : memref<!tpu.dma_semaphore, #tpu.memory_space<semaphore_mem>>
      %dma_start3A_100 = arith.constant 0 : i32
      %dma_start3A_101 = tpu.memref_slice %arg10[%mul3A_2, %dma_start3A_100] : memref<10112x48xf32, #tpu.memory_space<vmem_shared>> -> memref<632x48xf32, #tpu.memory_space<vmem_shared>>
      tpu.enqueue_dma source(%arg5 : memref<632x48xf32, #tpu.memory_space<hbm>>) target(%dma_start3A_101 : memref<632x48xf32, #tpu.memory_space<vmem_shared>>) target_semaphore(%run_scoped3A : memref<!tpu.dma_semaphore, #tpu.memory_space<semaphore_mem>>)
      %dma_wait3A_102 = arith.constant 0 : i32
      %dma_wait3A_103 = tpu.memref_slice %arg10[%mul3A_2, %dma_wait3A_102] : memref<10112x48xf32, #tpu.memory_space<vmem_shared>> -> memref<632x48xf32, #tpu.memory_space<vmem_shared>>
      tpu.wait_dma2 semaphore(%run_scoped3A : memref<!tpu.dma_semaphore, #tpu.memory_space<semaphore_mem>>) src(%arg5 : memref<632x48xf32, #tpu.memory_space<hbm>>) dst(%dma_wait3A_103 : memref<632x48xf32, #tpu.memory_space<vmem_shared>>)
      tpu.yield
    }) : () -> ()
    %mul3A_3 = arith.constant 632 : i32
    %mul3A_4 = arith.muli %arg1, %mul3A_3 : i32
    %mul3A_5 = arith.constant 632 : i32
    %mul3A_6 = arith.muli %arg1, %mul3A_5 : i32
    "tpu.region"() ({
      %run_scoped3A = tpu.sem_alloc : memref<!tpu.dma_semaphore, #tpu.memory_space<semaphore_mem>>
      %dma_start3A_100 = arith.constant 0 : i32
      %dma_start3A_101 = tpu.memref_slice %arg11[%mul3A_6, %dma_start3A_100] : memref<10112x48xf32, #tpu.memory_space<vmem_shared>> -> memref<632x48xf32, #tpu.memory_space<vmem_shared>>
      %dma_start3A_102 = arith.constant 0 : i32
      %dma_start3A_103 = tpu.memref_slice %arg2[%mul3A_4, %dma_start3A_102] : memref<10112x48xf32, #tpu.memory_space<hbm>> -> memref<632x48xf32, #tpu.memory_space<hbm>>
      tpu.enqueue_dma source(%dma_start3A_103 : memref<632x48xf32, #tpu.memory_space<hbm>>) target(%dma_start3A_101 : memref<632x48xf32, #tpu.memory_space<vmem_shared>>) target_semaphore(%run_scoped3A : memref<!tpu.dma_semaphore, #tpu.memory_space<semaphore_mem>>)
      %dma_wait3A_104 = arith.constant 0 : i32
      %dma_wait3A_105 = tpu.memref_slice %arg11[%mul3A_6, %dma_wait3A_104] : memref<10112x48xf32, #tpu.memory_space<vmem_shared>> -> memref<632x48xf32, #tpu.memory_space<vmem_shared>>
      %dma_wait3A_106 = arith.constant 0 : i32
      %dma_wait3A_107 = tpu.memref_slice %arg2[%mul3A_4, %dma_wait3A_106] : memref<10112x48xf32, #tpu.memory_space<hbm>> -> memref<632x48xf32, #tpu.memory_space<hbm>>
      tpu.wait_dma2 semaphore(%run_scoped3A : memref<!tpu.dma_semaphore, #tpu.memory_space<semaphore_mem>>) src(%dma_wait3A_107 : memref<632x48xf32, #tpu.memory_space<hbm>>) dst(%dma_wait3A_105 : memref<632x48xf32, #tpu.memory_space<vmem_shared>>)
      tpu.yield
    }) : () -> ()
    %barrier3A = arith.constant 0 : index
    tpu.barrier barrier_id(%barrier3A)
    %dma_start3A = arith.constant 0 : i32
    %dma_start3A_7 = arith.constant 0 : i32
    %dma_start3A_8 = arith.constant 0 : i32
    %dma_start3A_9 = arith.constant 0 : i32
    %dma_start3A_10 = tpu.memref_slice %arg9[%dma_start3A_7, %dma_start3A_8, %dma_start3A_9] : memref<4x128x48xf32, #tpu.memory_space<vmem>> -> memref<1x128x48xf32, #tpu.memory_space<vmem>>
    %dma_start3A_11 = tpu.memref_squeeze %dma_start3A_10 : memref<1x128x48xf32, #tpu.memory_space<vmem>> -> memref<128x48xf32, #tpu.memory_space<vmem>>
    %dma_start3A_12 = arith.constant 0 : i32
    %dma_start3A_13 = tpu.memref_slice %arg7[%dma_start3A, %dma_start3A_12] : memref<80x128xi32, #tpu.memory_space<vmem>> -> memref<1x128xi32, #tpu.memory_space<vmem>>
    %dma_start3A_14 = tpu.memref_squeeze %dma_start3A_13 : memref<1x128xi32, #tpu.memory_space<vmem>> -> memref<128xi32, #tpu.memory_space<vmem>>
    %dma_start3A_15 = arith.constant 0 : i32
    %dma_start3A_16 = arith.constant 0 : i32
    %dma_start3A_17 = tpu.memref_slice %arg11[%dma_start3A_15, %dma_start3A_16] : memref<10112x48xf32, #tpu.memory_space<vmem_shared>> -> memref<10112x48xf32, #tpu.memory_space<vmem_shared>>
    tpu.enqueue_indirect_dma source(%dma_start3A_17 : memref<10112x48xf32, #tpu.memory_space<vmem_shared>>) target(%dma_start3A_11 : memref<128x48xf32, #tpu.memory_space<vmem>>) offsets(%dma_start3A_14 : memref<128xi32, #tpu.memory_space<vmem>>) semaphore(%arg12 : memref<!tpu.dma_semaphore, #tpu.memory_space<semaphore_mem>>)
    %dma_start3A_18 = arith.constant 1 : i32
    %dma_start3A_19 = arith.constant 1 : i32
    %dma_start3A_20 = arith.constant 0 : i32
    %dma_start3A_21 = arith.constant 0 : i32
    %dma_start3A_22 = tpu.memref_slice %arg9[%dma_start3A_19, %dma_start3A_20, %dma_start3A_21] : memref<4x128x48xf32, #tpu.memory_space<vmem>> -> memref<1x128x48xf32, #tpu.memory_space<vmem>>
    %dma_start3A_23 = tpu.memref_squeeze %dma_start3A_22 : memref<1x128x48xf32, #tpu.memory_space<vmem>> -> memref<128x48xf32, #tpu.memory_space<vmem>>
    %dma_start3A_24 = arith.constant 0 : i32
    %dma_start3A_25 = tpu.memref_slice %arg7[%dma_start3A_18, %dma_start3A_24] : memref<80x128xi32, #tpu.memory_space<vmem>> -> memref<1x128xi32, #tpu.memory_space<vmem>>
    %dma_start3A_26 = tpu.memref_squeeze %dma_start3A_25 : memref<1x128xi32, #tpu.memory_space<vmem>> -> memref<128xi32, #tpu.memory_space<vmem>>
    %dma_start3A_27 = arith.constant 0 : i32
    %dma_start3A_28 = arith.constant 0 : i32
    %dma_start3A_29 = tpu.memref_slice %arg11[%dma_start3A_27, %dma_start3A_28] : memref<10112x48xf32, #tpu.memory_space<vmem_shared>> -> memref<10112x48xf32, #tpu.memory_space<vmem_shared>>
    tpu.enqueue_indirect_dma source(%dma_start3A_29 : memref<10112x48xf32, #tpu.memory_space<vmem_shared>>) target(%dma_start3A_23 : memref<128x48xf32, #tpu.memory_space<vmem>>) offsets(%dma_start3A_26 : memref<128xi32, #tpu.memory_space<vmem>>) semaphore(%arg13 : memref<!tpu.dma_semaphore, #tpu.memory_space<semaphore_mem>>)
    %dma_start3A_30 = arith.constant 2 : i32
    %dma_start3A_31 = arith.constant 2 : i32
    %dma_start3A_32 = arith.constant 0 : i32
    %dma_start3A_33 = arith.constant 0 : i32
    %dma_start3A_34 = tpu.memref_slice %arg9[%dma_start3A_31, %dma_start3A_32, %dma_start3A_33] : memref<4x128x48xf32, #tpu.memory_space<vmem>> -> memref<1x128x48xf32, #tpu.memory_space<vmem>>
    %dma_start3A_35 = tpu.memref_squeeze %dma_start3A_34 : memref<1x128x48xf32, #tpu.memory_space<vmem>> -> memref<128x48xf32, #tpu.memory_space<vmem>>
    %dma_start3A_36 = arith.constant 0 : i32
    %dma_start3A_37 = tpu.memref_slice %arg7[%dma_start3A_30, %dma_start3A_36] : memref<80x128xi32, #tpu.memory_space<vmem>> -> memref<1x128xi32, #tpu.memory_space<vmem>>
    %dma_start3A_38 = tpu.memref_squeeze %dma_start3A_37 : memref<1x128xi32, #tpu.memory_space<vmem>> -> memref<128xi32, #tpu.memory_space<vmem>>
    %dma_start3A_39 = arith.constant 0 : i32
    %dma_start3A_40 = arith.constant 0 : i32
    %dma_start3A_41 = tpu.memref_slice %arg11[%dma_start3A_39, %dma_start3A_40] : memref<10112x48xf32, #tpu.memory_space<vmem_shared>> -> memref<10112x48xf32, #tpu.memory_space<vmem_shared>>
    tpu.enqueue_indirect_dma source(%dma_start3A_41 : memref<10112x48xf32, #tpu.memory_space<vmem_shared>>) target(%dma_start3A_35 : memref<128x48xf32, #tpu.memory_space<vmem>>) offsets(%dma_start3A_38 : memref<128xi32, #tpu.memory_space<vmem>>) semaphore(%arg14 : memref<!tpu.dma_semaphore, #tpu.memory_space<semaphore_mem>>)
    %scan3A = arith.constant 0 : i32
    %scan3A_42 = arith.constant 0 : i32
    %scan3A_43 = arith.constant 20 : i32
    %scan3A_44 = arith.addi %scan3A_42, %scan3A_43 : i32
    %scan3A_45 = arith.constant 1 : i32
    %scan3A_46 = scf.for %scan3A_100 = %scan3A_42 to %scan3A_44 step %scan3A_45 iter_args(%scan3A_101 = %scan3A) -> (i32)  : i32 {
      %mul3A_102 = arith.constant 4 : i32
      %mul3A_103 = arith.muli %scan3A_100, %mul3A_102 : i32
      %add3A_104 = arith.constant 0 : i32
      %add3A_105 = arith.addi %mul3A_103, %add3A_104 : i32
      %add3A_106 = arith.constant 4 : i32
      %add3A_107 = arith.addi %add3A_105, %add3A_106 : i32
      %sub3A = arith.constant 1 : i32
      %sub3A_108 = arith.subi %add3A_107, %sub3A : i32
      %lt3A = arith.constant 80 : i32
      %lt3A_109 = arith.cmpi slt, %sub3A_108, %lt3A : i32
      %convert_element_type3A = arith.extui %lt3A_109 : i1 to i32
      %cond3A = arith.constant 0 : i32
      %cond3A_110 = arith.cmpi ne, %convert_element_type3A, %cond3A : i32
      scf.if %cond3A_110 {
        %gt3A = arith.constant 0 : i32
        %gt3A_239 = arith.cmpi sgt, %add3A_105, %gt3A : i32
        %convert_element_type3A_240 = arith.extui %gt3A_239 : i1 to i32
        %cond3A_241 = arith.constant 0 : i32
        %cond3A_242 = arith.cmpi ne, %convert_element_type3A_240, %cond3A_241 : i32
        scf.if %cond3A_242 {
          %dma_wait3A_258 = arith.constant 3 : i32
          %dma_wait3A_259 = arith.constant 0 : i32
          %dma_wait3A_260 = arith.constant 0 : i32
          %dma_wait3A_261 = tpu.memref_slice %arg9[%dma_wait3A_258, %dma_wait3A_259, %dma_wait3A_260] : memref<4x128x48xf32, #tpu.memory_space<vmem>> -> memref<1x128x48xf32, #tpu.memory_space<vmem>>
          %dma_wait3A_262 = tpu.memref_squeeze %dma_wait3A_261 : memref<1x128x48xf32, #tpu.memory_space<vmem>> -> memref<128x48xf32, #tpu.memory_space<vmem>>
          %dma_wait3A_263 = arith.constant 0 : i32
          %dma_wait3A_264 = tpu.memref_slice %arg8[%add3A_105, %dma_wait3A_263] : memref<80x128xi32, #tpu.memory_space<vmem>> -> memref<1x128xi32, #tpu.memory_space<vmem>>
          %dma_wait3A_265 = tpu.memref_squeeze %dma_wait3A_264 : memref<1x128xi32, #tpu.memory_space<vmem>> -> memref<128xi32, #tpu.memory_space<vmem>>
          %dma_wait3A_266 = arith.constant 0 : i32
          %dma_wait3A_267 = arith.constant 0 : i32
          %dma_wait3A_268 = tpu.memref_slice %arg10[%dma_wait3A_266, %dma_wait3A_267] : memref<10112x48xf32, #tpu.memory_space<vmem_shared>> -> memref<10112x48xf32, #tpu.memory_space<vmem_shared>>
          tpu.wait_indirect_dma semaphore(%arg19 : memref<!tpu.dma_semaphore, #tpu.memory_space<semaphore_mem>>) src(%dma_wait3A_262 : memref<128x48xf32, #tpu.memory_space<vmem>>) dst(%dma_wait3A_268 : memref<10112x48xf32, #tpu.memory_space<vmem_shared>>)
        } else {
        }
        %add3A_243 = arith.constant 4 : i32
        %add3A_244 = arith.addi %add3A_105, %add3A_243 : i32
        %sub3A_245 = arith.constant 1 : i32
        %sub3A_246 = arith.subi %add3A_244, %sub3A_245 : i32
        %dma_start3A_247 = arith.constant 3 : i32
        %dma_start3A_248 = arith.constant 0 : i32
        %dma_start3A_249 = arith.constant 0 : i32
        %dma_start3A_250 = tpu.memref_slice %arg9[%dma_start3A_247, %dma_start3A_248, %dma_start3A_249] : memref<4x128x48xf32, #tpu.memory_space<vmem>> -> memref<1x128x48xf32, #tpu.memory_space<vmem>>
        %dma_start3A_251 = tpu.memref_squeeze %dma_start3A_250 : memref<1x128x48xf32, #tpu.memory_space<vmem>> -> memref<128x48xf32, #tpu.memory_space<vmem>>
        %dma_start3A_252 = arith.constant 0 : i32
        %dma_start3A_253 = tpu.memref_slice %arg7[%sub3A_246, %dma_start3A_252] : memref<80x128xi32, #tpu.memory_space<vmem>> -> memref<1x128xi32, #tpu.memory_space<vmem>>
        %dma_start3A_254 = tpu.memref_squeeze %dma_start3A_253 : memref<1x128xi32, #tpu.memory_space<vmem>> -> memref<128xi32, #tpu.memory_space<vmem>>
        %dma_start3A_255 = arith.constant 0 : i32
        %dma_start3A_256 = arith.constant 0 : i32
        %dma_start3A_257 = tpu.memref_slice %arg11[%dma_start3A_255, %dma_start3A_256] : memref<10112x48xf32, #tpu.memory_space<vmem_shared>> -> memref<10112x48xf32, #tpu.memory_space<vmem_shared>>
        tpu.enqueue_indirect_dma source(%dma_start3A_257 : memref<10112x48xf32, #tpu.memory_space<vmem_shared>>) target(%dma_start3A_251 : memref<128x48xf32, #tpu.memory_space<vmem>>) offsets(%dma_start3A_254 : memref<128xi32, #tpu.memory_space<vmem>>) semaphore(%arg15 : memref<!tpu.dma_semaphore, #tpu.memory_space<semaphore_mem>>)
      } else {
      }
      %dma_wait3A_111 = arith.constant 0 : i32
      %dma_wait3A_112 = arith.constant 0 : i32
      %dma_wait3A_113 = arith.constant 0 : i32
      %dma_wait3A_114 = tpu.memref_slice %arg9[%dma_wait3A_111, %dma_wait3A_112, %dma_wait3A_113] : memref<4x128x48xf32, #tpu.memory_space<vmem>> -> memref<1x128x48xf32, #tpu.memory_space<vmem>>
      %dma_wait3A_115 = tpu.memref_squeeze %dma_wait3A_114 : memref<1x128x48xf32, #tpu.memory_space<vmem>> -> memref<128x48xf32, #tpu.memory_space<vmem>>
      %dma_wait3A_116 = arith.constant 0 : i32
      %dma_wait3A_117 = tpu.memref_slice %arg7[%add3A_105, %dma_wait3A_116] : memref<80x128xi32, #tpu.memory_space<vmem>> -> memref<1x128xi32, #tpu.memory_space<vmem>>
      %dma_wait3A_118 = tpu.memref_squeeze %dma_wait3A_117 : memref<1x128xi32, #tpu.memory_space<vmem>> -> memref<128xi32, #tpu.memory_space<vmem>>
      %dma_wait3A_119 = arith.constant 0 : i32
      %dma_wait3A_120 = arith.constant 0 : i32
      %dma_wait3A_121 = tpu.memref_slice %arg11[%dma_wait3A_119, %dma_wait3A_120] : memref<10112x48xf32, #tpu.memory_space<vmem_shared>> -> memref<10112x48xf32, #tpu.memory_space<vmem_shared>>
      tpu.wait_indirect_dma semaphore(%arg12 : memref<!tpu.dma_semaphore, #tpu.memory_space<semaphore_mem>>) src(%dma_wait3A_121 : memref<10112x48xf32, #tpu.memory_space<vmem_shared>>) dst(%dma_wait3A_115 : memref<128x48xf32, #tpu.memory_space<vmem>>)
      %dma_start3A_122 = arith.constant 0 : i32
      %dma_start3A_123 = arith.constant 0 : i32
      %dma_start3A_124 = arith.constant 0 : i32
      %dma_start3A_125 = tpu.memref_slice %arg9[%dma_start3A_122, %dma_start3A_123, %dma_start3A_124] : memref<4x128x48xf32, #tpu.memory_space<vmem>> -> memref<1x128x48xf32, #tpu.memory_space<vmem>>
      %dma_start3A_126 = tpu.memref_squeeze %dma_start3A_125 : memref<1x128x48xf32, #tpu.memory_space<vmem>> -> memref<128x48xf32, #tpu.memory_space<vmem>>
      %dma_start3A_127 = arith.constant 0 : i32
      %dma_start3A_128 = tpu.memref_slice %arg8[%add3A_105, %dma_start3A_127] : memref<80x128xi32, #tpu.memory_space<vmem>> -> memref<1x128xi32, #tpu.memory_space<vmem>>
      %dma_start3A_129 = tpu.memref_squeeze %dma_start3A_128 : memref<1x128xi32, #tpu.memory_space<vmem>> -> memref<128xi32, #tpu.memory_space<vmem>>
      %dma_start3A_130 = arith.constant 0 : i32
      %dma_start3A_131 = arith.constant 0 : i32
      %dma_start3A_132 = tpu.memref_slice %arg10[%dma_start3A_130, %dma_start3A_131] : memref<10112x48xf32, #tpu.memory_space<vmem_shared>> -> memref<10112x48xf32, #tpu.memory_space<vmem_shared>>
      tpu.enqueue_indirect_dma source(%dma_start3A_126 : memref<128x48xf32, #tpu.memory_space<vmem>>) target(%dma_start3A_132 : memref<10112x48xf32, #tpu.memory_space<vmem_shared>>) offsets(%dma_start3A_129 : memref<128xi32, #tpu.memory_space<vmem>>) semaphore(%arg16 : memref<!tpu.dma_semaphore, #tpu.memory_space<semaphore_mem>>) {add = true}
      %mul3A_133 = arith.constant 4 : i32
      %mul3A_134 = arith.muli %scan3A_100, %mul3A_133 : i32
      %add3A_135 = arith.constant 1 : i32
      %add3A_136 = arith.addi %mul3A_134, %add3A_135 : i32
      %add3A_137 = arith.constant 4 : i32
      %add3A_138 = arith.addi %add3A_136, %add3A_137 : i32
      %sub3A_139 = arith.constant 1 : i32
      %sub3A_140 = arith.subi %add3A_138, %sub3A_139 : i32
      %lt3A_141 = arith.constant 80 : i32
      %lt3A_142 = arith.cmpi slt, %sub3A_140, %lt3A_141 : i32
      %convert_element_type3A_143 = arith.extui %lt3A_142 : i1 to i32
      %cond3A_144 = arith.constant 0 : i32
      %cond3A_145 = arith.cmpi ne, %convert_element_type3A_143, %cond3A_144 : i32
      scf.if %cond3A_145 {
        %gt3A = arith.constant 0 : i32
        %gt3A_239 = arith.cmpi sgt, %add3A_136, %gt3A : i32
        %convert_element_type3A_240 = arith.extui %gt3A_239 : i1 to i32
        %cond3A_241 = arith.constant 0 : i32
        %cond3A_242 = arith.cmpi ne, %convert_element_type3A_240, %cond3A_241 : i32
        scf.if %cond3A_242 {
          %dma_wait3A_258 = arith.constant 0 : i32
          %dma_wait3A_259 = arith.constant 0 : i32
          %dma_wait3A_260 = arith.constant 0 : i32
          %dma_wait3A_261 = tpu.memref_slice %arg9[%dma_wait3A_258, %dma_wait3A_259, %dma_wait3A_260] : memref<4x128x48xf32, #tpu.memory_space<vmem>> -> memref<1x128x48xf32, #tpu.memory_space<vmem>>
          %dma_wait3A_262 = tpu.memref_squeeze %dma_wait3A_261 : memref<1x128x48xf32, #tpu.memory_space<vmem>> -> memref<128x48xf32, #tpu.memory_space<vmem>>
          %dma_wait3A_263 = arith.constant 0 : i32
          %dma_wait3A_264 = tpu.memref_slice %arg8[%add3A_136, %dma_wait3A_263] : memref<80x128xi32, #tpu.memory_space<vmem>> -> memref<1x128xi32, #tpu.memory_space<vmem>>
          %dma_wait3A_265 = tpu.memref_squeeze %dma_wait3A_264 : memref<1x128xi32, #tpu.memory_space<vmem>> -> memref<128xi32, #tpu.memory_space<vmem>>
          %dma_wait3A_266 = arith.constant 0 : i32
          %dma_wait3A_267 = arith.constant 0 : i32
          %dma_wait3A_268 = tpu.memref_slice %arg10[%dma_wait3A_266, %dma_wait3A_267] : memref<10112x48xf32, #tpu.memory_space<vmem_shared>> -> memref<10112x48xf32, #tpu.memory_space<vmem_shared>>
          tpu.wait_indirect_dma semaphore(%arg16 : memref<!tpu.dma_semaphore, #tpu.memory_space<semaphore_mem>>) src(%dma_wait3A_262 : memref<128x48xf32, #tpu.memory_space<vmem>>) dst(%dma_wait3A_268 : memref<10112x48xf32, #tpu.memory_space<vmem_shared>>)
        } else {
        }
        %add3A_243 = arith.constant 4 : i32
        %add3A_244 = arith.addi %add3A_136, %add3A_243 : i32
        %sub3A_245 = arith.constant 1 : i32
        %sub3A_246 = arith.subi %add3A_244, %sub3A_245 : i32
        %dma_start3A_247 = arith.constant 0 : i32
        %dma_start3A_248 = arith.constant 0 : i32
        %dma_start3A_249 = arith.constant 0 : i32
        %dma_start3A_250 = tpu.memref_slice %arg9[%dma_start3A_247, %dma_start3A_248, %dma_start3A_249] : memref<4x128x48xf32, #tpu.memory_space<vmem>> -> memref<1x128x48xf32, #tpu.memory_space<vmem>>
        %dma_start3A_251 = tpu.memref_squeeze %dma_start3A_250 : memref<1x128x48xf32, #tpu.memory_space<vmem>> -> memref<128x48xf32, #tpu.memory_space<vmem>>
        %dma_start3A_252 = arith.constant 0 : i32
        %dma_start3A_253 = tpu.memref_slice %arg7[%sub3A_246, %dma_start3A_252] : memref<80x128xi32, #tpu.memory_space<vmem>> -> memref<1x128xi32, #tpu.memory_space<vmem>>
        %dma_start3A_254 = tpu.memref_squeeze %dma_start3A_253 : memref<1x128xi32, #tpu.memory_space<vmem>> -> memref<128xi32, #tpu.memory_space<vmem>>
        %dma_start3A_255 = arith.constant 0 : i32
        %dma_start3A_256 = arith.constant 0 : i32
        %dma_start3A_257 = tpu.memref_slice %arg11[%dma_start3A_255, %dma_start3A_256] : memref<10112x48xf32, #tpu.memory_space<vmem_shared>> -> memref<10112x48xf32, #tpu.memory_space<vmem_shared>>
        tpu.enqueue_indirect_dma source(%dma_start3A_257 : memref<10112x48xf32, #tpu.memory_space<vmem_shared>>) target(%dma_start3A_251 : memref<128x48xf32, #tpu.memory_space<vmem>>) offsets(%dma_start3A_254 : memref<128xi32, #tpu.memory_space<vmem>>) semaphore(%arg12 : memref<!tpu.dma_semaphore, #tpu.memory_space<semaphore_mem>>)
      } else {
      }
      %dma_wait3A_146 = arith.constant 1 : i32
      %dma_wait3A_147 = arith.constant 0 : i32
      %dma_wait3A_148 = arith.constant 0 : i32
      %dma_wait3A_149 = tpu.memref_slice %arg9[%dma_wait3A_146, %dma_wait3A_147, %dma_wait3A_148] : memref<4x128x48xf32, #tpu.memory_space<vmem>> -> memref<1x128x48xf32, #tpu.memory_space<vmem>>
      %dma_wait3A_150 = tpu.memref_squeeze %dma_wait3A_149 : memref<1x128x48xf32, #tpu.memory_space<vmem>> -> memref<128x48xf32, #tpu.memory_space<vmem>>
      %dma_wait3A_151 = arith.constant 0 : i32
      %dma_wait3A_152 = tpu.memref_slice %arg7[%add3A_136, %dma_wait3A_151] : memref<80x128xi32, #tpu.memory_space<vmem>> -> memref<1x128xi32, #tpu.memory_space<vmem>>
      %dma_wait3A_153 = tpu.memref_squeeze %dma_wait3A_152 : memref<1x128xi32, #tpu.memory_space<vmem>> -> memref<128xi32, #tpu.memory_space<vmem>>
      %dma_wait3A_154 = arith.constant 0 : i32
      %dma_wait3A_155 = arith.constant 0 : i32
      %dma_wait3A_156 = tpu.memref_slice %arg11[%dma_wait3A_154, %dma_wait3A_155] : memref<10112x48xf32, #tpu.memory_space<vmem_shared>> -> memref<10112x48xf32, #tpu.memory_space<vmem_shared>>
      tpu.wait_indirect_dma semaphore(%arg13 : memref<!tpu.dma_semaphore, #tpu.memory_space<semaphore_mem>>) src(%dma_wait3A_156 : memref<10112x48xf32, #tpu.memory_space<vmem_shared>>) dst(%dma_wait3A_150 : memref<128x48xf32, #tpu.memory_space<vmem>>)
      %dma_start3A_157 = arith.constant 1 : i32
      %dma_start3A_158 = arith.constant 0 : i32
      %dma_start3A_159 = arith.constant 0 : i32
      %dma_start3A_160 = tpu.memref_slice %arg9[%dma_start3A_157, %dma_start3A_158, %dma_start3A_159] : memref<4x128x48xf32, #tpu.memory_space<vmem>> -> memref<1x128x48xf32, #tpu.memory_space<vmem>>
      %dma_start3A_161 = tpu.memref_squeeze %dma_start3A_160 : memref<1x128x48xf32, #tpu.memory_space<vmem>> -> memref<128x48xf32, #tpu.memory_space<vmem>>
      %dma_start3A_162 = arith.constant 0 : i32
      %dma_start3A_163 = tpu.memref_slice %arg8[%add3A_136, %dma_start3A_162] : memref<80x128xi32, #tpu.memory_space<vmem>> -> memref<1x128xi32, #tpu.memory_space<vmem>>
      %dma_start3A_164 = tpu.memref_squeeze %dma_start3A_163 : memref<1x128xi32, #tpu.memory_space<vmem>> -> memref<128xi32, #tpu.memory_space<vmem>>
      %dma_start3A_165 = arith.constant 0 : i32
      %dma_start3A_166 = arith.constant 0 : i32
      %dma_start3A_167 = tpu.memref_slice %arg10[%dma_start3A_165, %dma_start3A_166] : memref<10112x48xf32, #tpu.memory_space<vmem_shared>> -> memref<10112x48xf32, #tpu.memory_space<vmem_shared>>
      tpu.enqueue_indirect_dma source(%dma_start3A_161 : memref<128x48xf32, #tpu.memory_space<vmem>>) target(%dma_start3A_167 : memref<10112x48xf32, #tpu.memory_space<vmem_shared>>) offsets(%dma_start3A_164 : memref<128xi32, #tpu.memory_space<vmem>>) semaphore(%arg17 : memref<!tpu.dma_semaphore, #tpu.memory_space<semaphore_mem>>) {add = true}
      %mul3A_168 = arith.constant 4 : i32
      %mul3A_169 = arith.muli %scan3A_100, %mul3A_168 : i32
      %add3A_170 = arith.constant 2 : i32
      %add3A_171 = arith.addi %mul3A_169, %add3A_170 : i32
      %add3A_172 = arith.constant 4 : i32
      %add3A_173 = arith.addi %add3A_171, %add3A_172 : i32
      %sub3A_174 = arith.constant 1 : i32
      %sub3A_175 = arith.subi %add3A_173, %sub3A_174 : i32
      %lt3A_176 = arith.constant 80 : i32
      %lt3A_177 = arith.cmpi slt, %sub3A_175, %lt3A_176 : i32
      %convert_element_type3A_178 = arith.extui %lt3A_177 : i1 to i32
      %cond3A_179 = arith.constant 0 : i32
      %cond3A_180 = arith.cmpi ne, %convert_element_type3A_178, %cond3A_179 : i32
      scf.if %cond3A_180 {
        %gt3A = arith.constant 0 : i32
        %gt3A_239 = arith.cmpi sgt, %add3A_171, %gt3A : i32
        %convert_element_type3A_240 = arith.extui %gt3A_239 : i1 to i32
        %cond3A_241 = arith.constant 0 : i32
        %cond3A_242 = arith.cmpi ne, %convert_element_type3A_240, %cond3A_241 : i32
        scf.if %cond3A_242 {
          %dma_wait3A_258 = arith.constant 1 : i32
          %dma_wait3A_259 = arith.constant 0 : i32
          %dma_wait3A_260 = arith.constant 0 : i32
          %dma_wait3A_261 = tpu.memref_slice %arg9[%dma_wait3A_258, %dma_wait3A_259, %dma_wait3A_260] : memref<4x128x48xf32, #tpu.memory_space<vmem>> -> memref<1x128x48xf32, #tpu.memory_space<vmem>>
          %dma_wait3A_262 = tpu.memref_squeeze %dma_wait3A_261 : memref<1x128x48xf32, #tpu.memory_space<vmem>> -> memref<128x48xf32, #tpu.memory_space<vmem>>
          %dma_wait3A_263 = arith.constant 0 : i32
          %dma_wait3A_264 = tpu.memref_slice %arg8[%add3A_171, %dma_wait3A_263] : memref<80x128xi32, #tpu.memory_space<vmem>> -> memref<1x128xi32, #tpu.memory_space<vmem>>
          %dma_wait3A_265 = tpu.memref_squeeze %dma_wait3A_264 : memref<1x128xi32, #tpu.memory_space<vmem>> -> memref<128xi32, #tpu.memory_space<vmem>>
          %dma_wait3A_266 = arith.constant 0 : i32
          %dma_wait3A_267 = arith.constant 0 : i32
          %dma_wait3A_268 = tpu.memref_slice %arg10[%dma_wait3A_266, %dma_wait3A_267] : memref<10112x48xf32, #tpu.memory_space<vmem_shared>> -> memref<10112x48xf32, #tpu.memory_space<vmem_shared>>
          tpu.wait_indirect_dma semaphore(%arg17 : memref<!tpu.dma_semaphore, #tpu.memory_space<semaphore_mem>>) src(%dma_wait3A_262 : memref<128x48xf32, #tpu.memory_space<vmem>>) dst(%dma_wait3A_268 : memref<10112x48xf32, #tpu.memory_space<vmem_shared>>)
        } else {
        }
        %add3A_243 = arith.constant 4 : i32
        %add3A_244 = arith.addi %add3A_171, %add3A_243 : i32
        %sub3A_245 = arith.constant 1 : i32
        %sub3A_246 = arith.subi %add3A_244, %sub3A_245 : i32
        %dma_start3A_247 = arith.constant 1 : i32
        %dma_start3A_248 = arith.constant 0 : i32
        %dma_start3A_249 = arith.constant 0 : i32
        %dma_start3A_250 = tpu.memref_slice %arg9[%dma_start3A_247, %dma_start3A_248, %dma_start3A_249] : memref<4x128x48xf32, #tpu.memory_space<vmem>> -> memref<1x128x48xf32, #tpu.memory_space<vmem>>
        %dma_start3A_251 = tpu.memref_squeeze %dma_start3A_250 : memref<1x128x48xf32, #tpu.memory_space<vmem>> -> memref<128x48xf32, #tpu.memory_space<vmem>>
        %dma_start3A_252 = arith.constant 0 : i32
        %dma_start3A_253 = tpu.memref_slice %arg7[%sub3A_246, %dma_start3A_252] : memref<80x128xi32, #tpu.memory_space<vmem>> -> memref<1x128xi32, #tpu.memory_space<vmem>>
        %dma_start3A_254 = tpu.memref_squeeze %dma_start3A_253 : memref<1x128xi32, #tpu.memory_space<vmem>> -> memref<128xi32, #tpu.memory_space<vmem>>
        %dma_start3A_255 = arith.constant 0 : i32
        %dma_start3A_256 = arith.constant 0 : i32
        %dma_start3A_257 = tpu.memref_slice %arg11[%dma_start3A_255, %dma_start3A_256] : memref<10112x48xf32, #tpu.memory_space<vmem_shared>> -> memref<10112x48xf32, #tpu.memory_space<vmem_shared>>
        tpu.enqueue_indirect_dma source(%dma_start3A_257 : memref<10112x48xf32, #tpu.memory_space<vmem_shared>>) target(%dma_start3A_251 : memref<128x48xf32, #tpu.memory_space<vmem>>) offsets(%dma_start3A_254 : memref<128xi32, #tpu.memory_space<vmem>>) semaphore(%arg13 : memref<!tpu.dma_semaphore, #tpu.memory_space<semaphore_mem>>)
      } else {
      }
      %dma_wait3A_181 = arith.constant 2 : i32
      %dma_wait3A_182 = arith.constant 0 : i32
      %dma_wait3A_183 = arith.constant 0 : i32
      %dma_wait3A_184 = tpu.memref_slice %arg9[%dma_wait3A_181, %dma_wait3A_182, %dma_wait3A_183] : memref<4x128x48xf32, #tpu.memory_space<vmem>> -> memref<1x128x48xf32, #tpu.memory_space<vmem>>
      %dma_wait3A_185 = tpu.memref_squeeze %dma_wait3A_184 : memref<1x128x48xf32, #tpu.memory_space<vmem>> -> memref<128x48xf32, #tpu.memory_space<vmem>>
      %dma_wait3A_186 = arith.constant 0 : i32
      %dma_wait3A_187 = tpu.memref_slice %arg7[%add3A_171, %dma_wait3A_186] : memref<80x128xi32, #tpu.memory_space<vmem>> -> memref<1x128xi32, #tpu.memory_space<vmem>>
      %dma_wait3A_188 = tpu.memref_squeeze %dma_wait3A_187 : memref<1x128xi32, #tpu.memory_space<vmem>> -> memref<128xi32, #tpu.memory_space<vmem>>
      %dma_wait3A_189 = arith.constant 0 : i32
      %dma_wait3A_190 = arith.constant 0 : i32
      %dma_wait3A_191 = tpu.memref_slice %arg11[%dma_wait3A_189, %dma_wait3A_190] : memref<10112x48xf32, #tpu.memory_space<vmem_shared>> -> memref<10112x48xf32, #tpu.memory_space<vmem_shared>>
      tpu.wait_indirect_dma semaphore(%arg14 : memref<!tpu.dma_semaphore, #tpu.memory_space<semaphore_mem>>) src(%dma_wait3A_191 : memref<10112x48xf32, #tpu.memory_space<vmem_shared>>) dst(%dma_wait3A_185 : memref<128x48xf32, #tpu.memory_space<vmem>>)
      %dma_start3A_192 = arith.constant 2 : i32
      %dma_start3A_193 = arith.constant 0 : i32
      %dma_start3A_194 = arith.constant 0 : i32
      %dma_start3A_195 = tpu.memref_slice %arg9[%dma_start3A_192, %dma_start3A_193, %dma_start3A_194] : memref<4x128x48xf32, #tpu.memory_space<vmem>> -> memref<1x128x48xf32, #tpu.memory_space<vmem>>
      %dma_start3A_196 = tpu.memref_squeeze %dma_start3A_195 : memref<1x128x48xf32, #tpu.memory_space<vmem>> -> memref<128x48xf32, #tpu.memory_space<vmem>>
      %dma_start3A_197 = arith.constant 0 : i32
      %dma_start3A_198 = tpu.memref_slice %arg8[%add3A_171, %dma_start3A_197] : memref<80x128xi32, #tpu.memory_space<vmem>> -> memref<1x128xi32, #tpu.memory_space<vmem>>
      %dma_start3A_199 = tpu.memref_squeeze %dma_start3A_198 : memref<1x128xi32, #tpu.memory_space<vmem>> -> memref<128xi32, #tpu.memory_space<vmem>>
      %dma_start3A_200 = arith.constant 0 : i32
      %dma_start3A_201 = arith.constant 0 : i32
      %dma_start3A_202 = tpu.memref_slice %arg10[%dma_start3A_200, %dma_start3A_201] : memref<10112x48xf32, #tpu.memory_space<vmem_shared>> -> memref<10112x48xf32, #tpu.memory_space<vmem_shared>>
      tpu.enqueue_indirect_dma source(%dma_start3A_196 : memref<128x48xf32, #tpu.memory_space<vmem>>) target(%dma_start3A_202 : memref<10112x48xf32, #tpu.memory_space<vmem_shared>>) offsets(%dma_start3A_199 : memref<128xi32, #tpu.memory_space<vmem>>) semaphore(%arg18 : memref<!tpu.dma_semaphore, #tpu.memory_space<semaphore_mem>>) {add = true}
      %mul3A_203 = arith.constant 4 : i32
      %mul3A_204 = arith.muli %scan3A_100, %mul3A_203 : i32
      %add3A_205 = arith.constant 3 : i32
      %add3A_206 = arith.addi %mul3A_204, %add3A_205 : i32
      %add3A_207 = arith.constant 4 : i32
      %add3A_208 = arith.addi %add3A_206, %add3A_207 : i32
      %sub3A_209 = arith.constant 1 : i32
      %sub3A_210 = arith.subi %add3A_208, %sub3A_209 : i32
      %lt3A_211 = arith.constant 80 : i32
      %lt3A_212 = arith.cmpi slt, %sub3A_210, %lt3A_211 : i32
      %convert_element_type3A_213 = arith.extui %lt3A_212 : i1 to i32
      %cond3A_214 = arith.constant 0 : i32
      %cond3A_215 = arith.cmpi ne, %convert_element_type3A_213, %cond3A_214 : i32
      scf.if %cond3A_215 {
        %gt3A = arith.constant 0 : i32
        %gt3A_239 = arith.cmpi sgt, %add3A_206, %gt3A : i32
        %convert_element_type3A_240 = arith.extui %gt3A_239 : i1 to i32
        %cond3A_241 = arith.constant 0 : i32
        %cond3A_242 = arith.cmpi ne, %convert_element_type3A_240, %cond3A_241 : i32
        scf.if %cond3A_242 {
          %dma_wait3A_258 = arith.constant 2 : i32
          %dma_wait3A_259 = arith.constant 0 : i32
          %dma_wait3A_260 = arith.constant 0 : i32
          %dma_wait3A_261 = tpu.memref_slice %arg9[%dma_wait3A_258, %dma_wait3A_259, %dma_wait3A_260] : memref<4x128x48xf32, #tpu.memory_space<vmem>> -> memref<1x128x48xf32, #tpu.memory_space<vmem>>
          %dma_wait3A_262 = tpu.memref_squeeze %dma_wait3A_261 : memref<1x128x48xf32, #tpu.memory_space<vmem>> -> memref<128x48xf32, #tpu.memory_space<vmem>>
          %dma_wait3A_263 = arith.constant 0 : i32
          %dma_wait3A_264 = tpu.memref_slice %arg8[%add3A_206, %dma_wait3A_263] : memref<80x128xi32, #tpu.memory_space<vmem>> -> memref<1x128xi32, #tpu.memory_space<vmem>>
          %dma_wait3A_265 = tpu.memref_squeeze %dma_wait3A_264 : memref<1x128xi32, #tpu.memory_space<vmem>> -> memref<128xi32, #tpu.memory_space<vmem>>
          %dma_wait3A_266 = arith.constant 0 : i32
          %dma_wait3A_267 = arith.constant 0 : i32
          %dma_wait3A_268 = tpu.memref_slice %arg10[%dma_wait3A_266, %dma_wait3A_267] : memref<10112x48xf32, #tpu.memory_space<vmem_shared>> -> memref<10112x48xf32, #tpu.memory_space<vmem_shared>>
          tpu.wait_indirect_dma semaphore(%arg18 : memref<!tpu.dma_semaphore, #tpu.memory_space<semaphore_mem>>) src(%dma_wait3A_262 : memref<128x48xf32, #tpu.memory_space<vmem>>) dst(%dma_wait3A_268 : memref<10112x48xf32, #tpu.memory_space<vmem_shared>>)
        } else {
        }
        %add3A_243 = arith.constant 4 : i32
        %add3A_244 = arith.addi %add3A_206, %add3A_243 : i32
        %sub3A_245 = arith.constant 1 : i32
        %sub3A_246 = arith.subi %add3A_244, %sub3A_245 : i32
        %dma_start3A_247 = arith.constant 2 : i32
        %dma_start3A_248 = arith.constant 0 : i32
        %dma_start3A_249 = arith.constant 0 : i32
        %dma_start3A_250 = tpu.memref_slice %arg9[%dma_start3A_247, %dma_start3A_248, %dma_start3A_249] : memref<4x128x48xf32, #tpu.memory_space<vmem>> -> memref<1x128x48xf32, #tpu.memory_space<vmem>>
        %dma_start3A_251 = tpu.memref_squeeze %dma_start3A_250 : memref<1x128x48xf32, #tpu.memory_space<vmem>> -> memref<128x48xf32, #tpu.memory_space<vmem>>
        %dma_start3A_252 = arith.constant 0 : i32
        %dma_start3A_253 = tpu.memref_slice %arg7[%sub3A_246, %dma_start3A_252] : memref<80x128xi32, #tpu.memory_space<vmem>> -> memref<1x128xi32, #tpu.memory_space<vmem>>
        %dma_start3A_254 = tpu.memref_squeeze %dma_start3A_253 : memref<1x128xi32, #tpu.memory_space<vmem>> -> memref<128xi32, #tpu.memory_space<vmem>>
        %dma_start3A_255 = arith.constant 0 : i32
        %dma_start3A_256 = arith.constant 0 : i32
        %dma_start3A_257 = tpu.memref_slice %arg11[%dma_start3A_255, %dma_start3A_256] : memref<10112x48xf32, #tpu.memory_space<vmem_shared>> -> memref<10112x48xf32, #tpu.memory_space<vmem_shared>>
        tpu.enqueue_indirect_dma source(%dma_start3A_257 : memref<10112x48xf32, #tpu.memory_space<vmem_shared>>) target(%dma_start3A_251 : memref<128x48xf32, #tpu.memory_space<vmem>>) offsets(%dma_start3A_254 : memref<128xi32, #tpu.memory_space<vmem>>) semaphore(%arg14 : memref<!tpu.dma_semaphore, #tpu.memory_space<semaphore_mem>>)
      } else {
      }
      %dma_wait3A_216 = arith.constant 3 : i32
      %dma_wait3A_217 = arith.constant 0 : i32
      %dma_wait3A_218 = arith.constant 0 : i32
      %dma_wait3A_219 = tpu.memref_slice %arg9[%dma_wait3A_216, %dma_wait3A_217, %dma_wait3A_218] : memref<4x128x48xf32, #tpu.memory_space<vmem>> -> memref<1x128x48xf32, #tpu.memory_space<vmem>>
      %dma_wait3A_220 = tpu.memref_squeeze %dma_wait3A_219 : memref<1x128x48xf32, #tpu.memory_space<vmem>> -> memref<128x48xf32, #tpu.memory_space<vmem>>
      %dma_wait3A_221 = arith.constant 0 : i32
      %dma_wait3A_222 = tpu.memref_slice %arg7[%add3A_206, %dma_wait3A_221] : memref<80x128xi32, #tpu.memory_space<vmem>> -> memref<1x128xi32, #tpu.memory_space<vmem>>
      %dma_wait3A_223 = tpu.memref_squeeze %dma_wait3A_222 : memref<1x128xi32, #tpu.memory_space<vmem>> -> memref<128xi32, #tpu.memory_space<vmem>>
      %dma_wait3A_224 = arith.constant 0 : i32
      %dma_wait3A_225 = arith.constant 0 : i32
      %dma_wait3A_226 = tpu.memref_slice %arg11[%dma_wait3A_224, %dma_wait3A_225] : memref<10112x48xf32, #tpu.memory_space<vmem_shared>> -> memref<10112x48xf32, #tpu.memory_space<vmem_shared>>
      tpu.wait_indirect_dma semaphore(%arg15 : memref<!tpu.dma_semaphore, #tpu.memory_space<semaphore_mem>>) src(%dma_wait3A_226 : memref<10112x48xf32, #tpu.memory_space<vmem_shared>>) dst(%dma_wait3A_220 : memref<128x48xf32, #tpu.memory_space<vmem>>)
      %dma_start3A_227 = arith.constant 3 : i32
      %dma_start3A_228 = arith.constant 0 : i32
      %dma_start3A_229 = arith.constant 0 : i32
      %dma_start3A_230 = tpu.memref_slice %arg9[%dma_start3A_227, %dma_start3A_228, %dma_start3A_229] : memref<4x128x48xf32, #tpu.memory_space<vmem>> -> memref<1x128x48xf32, #tpu.memory_space<vmem>>
      %dma_start3A_231 = tpu.memref_squeeze %dma_start3A_230 : memref<1x128x48xf32, #tpu.memory_space<vmem>> -> memref<128x48xf32, #tpu.memory_space<vmem>>
      %dma_start3A_232 = arith.constant 0 : i32
      %dma_start3A_233 = tpu.memref_slice %arg8[%add3A_206, %dma_start3A_232] : memref<80x128xi32, #tpu.memory_space<vmem>> -> memref<1x128xi32, #tpu.memory_space<vmem>>
      %dma_start3A_234 = tpu.memref_squeeze %dma_start3A_233 : memref<1x128xi32, #tpu.memory_space<vmem>> -> memref<128xi32, #tpu.memory_space<vmem>>
      %dma_start3A_235 = arith.constant 0 : i32
      %dma_start3A_236 = arith.constant 0 : i32
      %dma_start3A_237 = tpu.memref_slice %arg10[%dma_start3A_235, %dma_start3A_236] : memref<10112x48xf32, #tpu.memory_space<vmem_shared>> -> memref<10112x48xf32, #tpu.memory_space<vmem_shared>>
      tpu.enqueue_indirect_dma source(%dma_start3A_231 : memref<128x48xf32, #tpu.memory_space<vmem>>) target(%dma_start3A_237 : memref<10112x48xf32, #tpu.memory_space<vmem_shared>>) offsets(%dma_start3A_234 : memref<128xi32, #tpu.memory_space<vmem>>) semaphore(%arg19 : memref<!tpu.dma_semaphore, #tpu.memory_space<semaphore_mem>>) {add = true}
      %scan3A_238 = arith.constant 0 : i32
      scf.yield %scan3A_238 : i32
    }
    %scan3A_47 = arith.constant 20 : i32
    %dma_wait3A = arith.constant 0 : i32
    %dma_wait3A_48 = arith.constant 0 : i32
    %dma_wait3A_49 = arith.constant 0 : i32
    %dma_wait3A_50 = arith.constant 0 : i32
    %dma_wait3A_51 = tpu.memref_slice %arg9[%dma_wait3A, %dma_wait3A_49, %dma_wait3A_50] : memref<4x128x48xf32, #tpu.memory_space<vmem>> -> memref<1x128x48xf32, #tpu.memory_space<vmem>>
    %dma_wait3A_52 = tpu.memref_squeeze %dma_wait3A_51 : memref<1x128x48xf32, #tpu.memory_space<vmem>> -> memref<128x48xf32, #tpu.memory_space<vmem>>
    %dma_wait3A_53 = arith.constant 0 : i32
    %dma_wait3A_54 = tpu.memref_slice %arg8[%dma_wait3A_48, %dma_wait3A_53] : memref<80x128xi32, #tpu.memory_space<vmem>> -> memref<1x128xi32, #tpu.memory_space<vmem>>
    %dma_wait3A_55 = tpu.memref_squeeze %dma_wait3A_54 : memref<1x128xi32, #tpu.memory_space<vmem>> -> memref<128xi32, #tpu.memory_space<vmem>>
    %dma_wait3A_56 = arith.constant 0 : i32
    %dma_wait3A_57 = arith.constant 0 : i32
    %dma_wait3A_58 = tpu.memref_slice %arg10[%dma_wait3A_56, %dma_wait3A_57] : memref<10112x48xf32, #tpu.memory_space<vmem_shared>> -> memref<10112x48xf32, #tpu.memory_space<vmem_shared>>
    tpu.wait_indirect_dma semaphore(%arg16 : memref<!tpu.dma_semaphore, #tpu.memory_space<semaphore_mem>>) src(%dma_wait3A_52 : memref<128x48xf32, #tpu.memory_space<vmem>>) dst(%dma_wait3A_58 : memref<10112x48xf32, #tpu.memory_space<vmem_shared>>)
    %dma_wait3A_59 = arith.constant 1 : i32
    %dma_wait3A_60 = arith.constant 0 : i32
    %dma_wait3A_61 = arith.constant 0 : i32
    %dma_wait3A_62 = arith.constant 0 : i32
    %dma_wait3A_63 = tpu.memref_slice %arg9[%dma_wait3A_59, %dma_wait3A_61, %dma_wait3A_62] : memref<4x128x48xf32, #tpu.memory_space<vmem>> -> memref<1x128x48xf32, #tpu.memory_space<vmem>>
    %dma_wait3A_64 = tpu.memref_squeeze %dma_wait3A_63 : memref<1x128x48xf32, #tpu.memory_space<vmem>> -> memref<128x48xf32, #tpu.memory_space<vmem>>
    %dma_wait3A_65 = arith.constant 0 : i32
    %dma_wait3A_66 = tpu.memref_slice %arg8[%dma_wait3A_60, %dma_wait3A_65] : memref<80x128xi32, #tpu.memory_space<vmem>> -> memref<1x128xi32, #tpu.memory_space<vmem>>
    %dma_wait3A_67 = tpu.memref_squeeze %dma_wait3A_66 : memref<1x128xi32, #tpu.memory_space<vmem>> -> memref<128xi32, #tpu.memory_space<vmem>>
    %dma_wait3A_68 = arith.constant 0 : i32
    %dma_wait3A_69 = arith.constant 0 : i32
    %dma_wait3A_70 = tpu.memref_slice %arg10[%dma_wait3A_68, %dma_wait3A_69] : memref<10112x48xf32, #tpu.memory_space<vmem_shared>> -> memref<10112x48xf32, #tpu.memory_space<vmem_shared>>
    tpu.wait_indirect_dma semaphore(%arg17 : memref<!tpu.dma_semaphore, #tpu.memory_space<semaphore_mem>>) src(%dma_wait3A_64 : memref<128x48xf32, #tpu.memory_space<vmem>>) dst(%dma_wait3A_70 : memref<10112x48xf32, #tpu.memory_space<vmem_shared>>)
    %dma_wait3A_71 = arith.constant 2 : i32
    %dma_wait3A_72 = arith.constant 0 : i32
    %dma_wait3A_73 = arith.constant 0 : i32
    %dma_wait3A_74 = arith.constant 0 : i32
    %dma_wait3A_75 = tpu.memref_slice %arg9[%dma_wait3A_71, %dma_wait3A_73, %dma_wait3A_74] : memref<4x128x48xf32, #tpu.memory_space<vmem>> -> memref<1x128x48xf32, #tpu.memory_space<vmem>>
    %dma_wait3A_76 = tpu.memref_squeeze %dma_wait3A_75 : memref<1x128x48xf32, #tpu.memory_space<vmem>> -> memref<128x48xf32, #tpu.memory_space<vmem>>
    %dma_wait3A_77 = arith.constant 0 : i32
    %dma_wait3A_78 = tpu.memref_slice %arg8[%dma_wait3A_72, %dma_wait3A_77] : memref<80x128xi32, #tpu.memory_space<vmem>> -> memref<1x128xi32, #tpu.memory_space<vmem>>
    %dma_wait3A_79 = tpu.memref_squeeze %dma_wait3A_78 : memref<1x128xi32, #tpu.memory_space<vmem>> -> memref<128xi32, #tpu.memory_space<vmem>>
    %dma_wait3A_80 = arith.constant 0 : i32
    %dma_wait3A_81 = arith.constant 0 : i32
    %dma_wait3A_82 = tpu.memref_slice %arg10[%dma_wait3A_80, %dma_wait3A_81] : memref<10112x48xf32, #tpu.memory_space<vmem_shared>> -> memref<10112x48xf32, #tpu.memory_space<vmem_shared>>
    tpu.wait_indirect_dma semaphore(%arg18 : memref<!tpu.dma_semaphore, #tpu.memory_space<semaphore_mem>>) src(%dma_wait3A_76 : memref<128x48xf32, #tpu.memory_space<vmem>>) dst(%dma_wait3A_82 : memref<10112x48xf32, #tpu.memory_space<vmem_shared>>)
    %dma_wait3A_83 = arith.constant 3 : i32
    %dma_wait3A_84 = arith.constant 0 : i32
    %dma_wait3A_85 = arith.constant 0 : i32
    %dma_wait3A_86 = arith.constant 0 : i32
    %dma_wait3A_87 = tpu.memref_slice %arg9[%dma_wait3A_83, %dma_wait3A_85, %dma_wait3A_86] : memref<4x128x48xf32, #tpu.memory_space<vmem>> -> memref<1x128x48xf32, #tpu.memory_space<vmem>>
    %dma_wait3A_88 = tpu.memref_squeeze %dma_wait3A_87 : memref<1x128x48xf32, #tpu.memory_space<vmem>> -> memref<128x48xf32, #tpu.memory_space<vmem>>
    %dma_wait3A_89 = arith.constant 0 : i32
    %dma_wait3A_90 = tpu.memref_slice %arg8[%dma_wait3A_84, %dma_wait3A_89] : memref<80x128xi32, #tpu.memory_space<vmem>> -> memref<1x128xi32, #tpu.memory_space<vmem>>
    %dma_wait3A_91 = tpu.memref_squeeze %dma_wait3A_90 : memref<1x128xi32, #tpu.memory_space<vmem>> -> memref<128xi32, #tpu.memory_space<vmem>>
    %dma_wait3A_92 = arith.constant 0 : i32
    %dma_wait3A_93 = arith.constant 0 : i32
    %dma_wait3A_94 = tpu.memref_slice %arg10[%dma_wait3A_92, %dma_wait3A_93] : memref<10112x48xf32, #tpu.memory_space<vmem_shared>> -> memref<10112x48xf32, #tpu.memory_space<vmem_shared>>
    tpu.wait_indirect_dma semaphore(%arg19 : memref<!tpu.dma_semaphore, #tpu.memory_space<semaphore_mem>>) src(%dma_wait3A_88 : memref<128x48xf32, #tpu.memory_space<vmem>>) dst(%dma_wait3A_94 : memref<10112x48xf32, #tpu.memory_space<vmem_shared>>)
    %barrier3A_95 = arith.constant 0 : index
    tpu.barrier barrier_id(%barrier3A_95)
    %mul3A_96 = arith.constant 632 : i32
    %mul3A_97 = arith.muli %arg1, %mul3A_96 : i32
    %mul3A_98 = arith.constant 632 : i32
    %mul3A_99 = arith.muli %arg1, %mul3A_98 : i32
    "tpu.region"() ({
      %run_scoped3A = tpu.sem_alloc : memref<!tpu.dma_semaphore, #tpu.memory_space<semaphore_mem>>
      %dma_start3A_100 = arith.constant 0 : i32
      %dma_start3A_101 = tpu.memref_slice %arg6[%arg0, %mul3A_99, %dma_start3A_100] : memref<2x10112x48xf32, #tpu.memory_space<hbm>> -> memref<1x632x48xf32, #tpu.memory_space<hbm>>
      %dma_start3A_102 = tpu.memref_squeeze %dma_start3A_101 : memref<1x632x48xf32, #tpu.memory_space<hbm>> -> memref<632x48xf32, #tpu.memory_space<hbm>>
      %dma_start3A_103 = arith.constant 0 : i32
      %dma_start3A_104 = tpu.memref_slice %arg10[%mul3A_97, %dma_start3A_103] : memref<10112x48xf32, #tpu.memory_space<vmem_shared>> -> memref<632x48xf32, #tpu.memory_space<vmem_shared>>
      tpu.enqueue_dma source(%dma_start3A_104 : memref<632x48xf32, #tpu.memory_space<vmem_shared>>) target(%dma_start3A_102 : memref<632x48xf32, #tpu.memory_space<hbm>>) target_semaphore(%run_scoped3A : memref<!tpu.dma_semaphore, #tpu.memory_space<semaphore_mem>>)
      %dma_wait3A_105 = arith.constant 0 : i32
      %dma_wait3A_106 = tpu.memref_slice %arg6[%arg0, %mul3A_99, %dma_wait3A_105] : memref<2x10112x48xf32, #tpu.memory_space<hbm>> -> memref<1x632x48xf32, #tpu.memory_space<hbm>>
      %dma_wait3A_107 = tpu.memref_squeeze %dma_wait3A_106 : memref<1x632x48xf32, #tpu.memory_space<hbm>> -> memref<632x48xf32, #tpu.memory_space<hbm>>
      %dma_wait3A_108 = arith.constant 0 : i32
      %dma_wait3A_109 = tpu.memref_slice %arg10[%mul3A_97, %dma_wait3A_108] : memref<10112x48xf32, #tpu.memory_space<vmem_shared>> -> memref<632x48xf32, #tpu.memory_space<vmem_shared>>
      tpu.wait_dma2 semaphore(%run_scoped3A : memref<!tpu.dma_semaphore, #tpu.memory_space<semaphore_mem>>) src(%dma_wait3A_109 : memref<632x48xf32, #tpu.memory_space<vmem_shared>>) dst(%dma_wait3A_107 : memref<632x48xf32, #tpu.memory_space<hbm>>)
      tpu.yield
    }) : () -> ()
    return
  }
}

module attributes {stable_mosaic.version = 14 : i64} {
  func.func @_mlp_body(%arg0: i32, %arg1: memref<632x128xf32, #tpu.memory_space<vmem>>, %arg2: memref<128x128xf32, #tpu.memory_space<vmem>>, %arg3: memref<1x128xf32, #tpu.memory_space<vmem>>, %arg4: memref<128x48xf32, #tpu.memory_space<vmem>>, %arg5: memref<1x48xf32, #tpu.memory_space<vmem>>, %arg6: memref<632x48xf32, #tpu.memory_space<vmem>>) attributes {dimension_semantics = [#tpu.dimension_semantics<arbitrary>], iteration_bounds = array<i64: 16>, scalar_prefetch = 0 : i64, scratch_operands = 0 : i64, tpu.core_type = #tpu.core_type<tc>, window_params = [{transform_indices = @transform_0, window_bounds = array<i64: 632, 128>}, {pipeline_mode = #tpu.pipeline_mode<synchronous>, transform_indices = @transform_1, window_bounds = array<i64: 128, 128>}, {pipeline_mode = #tpu.pipeline_mode<synchronous>, transform_indices = @transform_2, window_bounds = array<i64: 1, 128>}, {pipeline_mode = #tpu.pipeline_mode<synchronous>, transform_indices = @transform_3, window_bounds = array<i64: 128, 48>}, {pipeline_mode = #tpu.pipeline_mode<synchronous>, transform_indices = @transform_4, window_bounds = array<i64: 1, 48>}, {transform_indices = @transform_5, window_bounds = array<i64: 632, 48>}]} {
    %get3A = arith.constant 0 : index
    %get3A_0 = arith.constant 0 : index
    %get3A_1 = vector.load %arg1[%get3A, %get3A_0] : memref<632x128xf32, #tpu.memory_space<vmem>>, vector<632x128xf32>
    %get3A_2 = arith.constant 0 : index
    %get3A_3 = arith.constant 0 : index
    %get3A_4 = vector.load %arg2[%get3A_2, %get3A_3] : memref<128x128xf32, #tpu.memory_space<vmem>>, vector<128x128xf32>
    %dot_general3A = arith.constant dense<0.000000e+00> : vector<632x128xf32>
    %dot_general3A_5 = tpu.matmul %get3A_1, %get3A_4, %dot_general3A {dimension_numbers = #tpu.dot_dimension_numbers<[1], [0], [0], [1], [0, 0, 1, 1], [], []>, transpose_lhs_hint = false} : vector<632x128xf32>, vector<128x128xf32>, vector<632x128xf32> -> vector<632x128xf32>
    %get3A_6 = arith.constant 0 : index
    %get3A_7 = arith.constant 0 : index
    %get3A_8 = vector.load %arg3[%get3A_6, %get3A_7] : memref<1x128xf32, #tpu.memory_space<vmem>>, vector<1x128xf32>
    %add3A = vector.broadcast %get3A_8 : vector<1x128xf32> to vector<632x128xf32>
    %add3A_9 = arith.addf %dot_general3A_5, %add3A : vector<632x128xf32>
    %max3A = arith.constant 0.000000e+00 : f32
    %max3A_10 = vector.broadcast %max3A : f32 to vector<632x128xf32>
    %max3A_11 = arith.maximumf %add3A_9, %max3A_10 : vector<632x128xf32>
    %get3A_12 = arith.constant 0 : index
    %get3A_13 = arith.constant 0 : index
    %get3A_14 = vector.load %arg4[%get3A_12, %get3A_13] : memref<128x48xf32, #tpu.memory_space<vmem>>, vector<128x48xf32>
    %dot_general3A_15 = arith.constant dense<0.000000e+00> : vector<632x48xf32>
    %dot_general3A_16 = tpu.matmul %max3A_11, %get3A_14, %dot_general3A_15 {dimension_numbers = #tpu.dot_dimension_numbers<[1], [0], [0], [1], [0, 0, 1, 1], [], []>, transpose_lhs_hint = false} : vector<632x128xf32>, vector<128x48xf32>, vector<632x48xf32> -> vector<632x48xf32>
    %get3A_17 = arith.constant 0 : index
    %get3A_18 = arith.constant 0 : index
    %get3A_19 = vector.load %arg5[%get3A_17, %get3A_18] : memref<1x48xf32, #tpu.memory_space<vmem>>, vector<1x48xf32>
    %add3A_20 = vector.broadcast %get3A_19 : vector<1x48xf32> to vector<632x48xf32>
    %add3A_21 = arith.addf %dot_general3A_16, %add3A_20 : vector<632x48xf32>
    %swap3A = arith.constant 0 : index
    %swap3A_22 = arith.constant 0 : index
    %swap3A_23 = vector.load %arg6[%swap3A, %swap3A_22] : memref<632x48xf32, #tpu.memory_space<vmem>>, vector<632x48xf32>
    tpu.vector_store %arg6[%swap3A, %swap3A_22], %add3A_21 {strides = array<i32>} : memref<632x48xf32, #tpu.memory_space<vmem>>, vector<632x48xf32>,
    return
  }
  func.func @transform_0(%arg0: i32) -> (i32, i32) {
    %c0_i32 = arith.constant 0 : i32
    %c0_i32_0 = arith.constant 0 : i32
    return %arg0, %c0_i32 : i32, i32
  }
  func.func @transform_1(%arg0: i32) -> (i32, i32) {
    %c0_i32 = arith.constant 0 : i32
    %c0_i32_0 = arith.constant 0 : i32
    %c0_i32_1 = arith.constant 0 : i32
    return %c0_i32, %c0_i32_0 : i32, i32
  }
  func.func @transform_2(%arg0: i32) -> (i32, i32) {
    %c0_i32 = arith.constant 0 : i32
    %c0_i32_0 = arith.constant 0 : i32
    %c0_i32_1 = arith.constant 0 : i32
    return %c0_i32, %c0_i32_0 : i32, i32
  }
  func.func @transform_3(%arg0: i32) -> (i32, i32) {
    %c0_i32 = arith.constant 0 : i32
    %c0_i32_0 = arith.constant 0 : i32
    %c0_i32_1 = arith.constant 0 : i32
    return %c0_i32, %c0_i32_0 : i32, i32
  }
  func.func @transform_4(%arg0: i32) -> (i32, i32) {
    %c0_i32 = arith.constant 0 : i32
    %c0_i32_0 = arith.constant 0 : i32
    %c0_i32_1 = arith.constant 0 : i32
    return %c0_i32, %c0_i32_0 : i32, i32
  }
  func.func @transform_5(%arg0: i32) -> (i32, i32) {
    %c0_i32 = arith.constant 0 : i32
    %c0_i32_0 = arith.constant 0 : i32
    return %arg0, %c0_i32 : i32, i32
  }
}

module attributes {stable_mosaic.version = 14 : i64} {
  func.func @_combine_body(%arg0: i32, %arg1: memref<2x632x48xf32, #tpu.memory_space<vmem>>, %arg2: memref<632x48xf32, #tpu.memory_space<vmem>>, %arg3: memref<632x48xf32, #tpu.memory_space<vmem>>, %arg4: memref<632x1xf32, #tpu.memory_space<vmem>>, %arg5: memref<1x1xf32, #tpu.memory_space<vmem>>, %arg6: memref<632x48xf32, #tpu.memory_space<vmem>>, %arg7: memref<632x48xf32, #tpu.memory_space<vmem>>) attributes {dimension_semantics = [#tpu.dimension_semantics<arbitrary>], iteration_bounds = array<i64: 16>, scalar_prefetch = 0 : i64, scratch_operands = 0 : i64, tpu.core_type = #tpu.core_type<tc>, window_params = [{transform_indices = @transform_0, window_bounds = array<i64: 2, 632, 48>}, {transform_indices = @transform_1, window_bounds = array<i64: 632, 48>}, {transform_indices = @transform_2, window_bounds = array<i64: 632, 48>}, {transform_indices = @transform_3, window_bounds = array<i64: 632, 1>}, {pipeline_mode = #tpu.pipeline_mode<synchronous>, transform_indices = @transform_4, window_bounds = array<i64: 1, 1>}, {transform_indices = @transform_5, window_bounds = array<i64: 632, 48>}, {transform_indices = @transform_6, window_bounds = array<i64: 632, 48>}]} {
    %get3A = arith.constant 0 : index
    %get3A_0 = arith.constant 0 : index
    %get3A_1 = vector.load %arg4[%get3A, %get3A_0] : memref<632x1xf32, #tpu.memory_space<vmem>>, vector<632x1xf32>
    %get3A_2 = arith.constant 0 : index
    %get3A_3 = arith.constant 0 : index
    %get3A_4 = arith.constant 0 : index
    %get3A_5 = vector.load %arg1[%get3A_2, %get3A_3, %get3A_4] : memref<2x632x48xf32, #tpu.memory_space<vmem>>, vector<1x632x48xf32>
    %get3A_6 = vector.shape_cast %get3A_5 : vector<1x632x48xf32> to vector<632x48xf32>
    %get3A_7 = arith.constant 1 : index
    %get3A_8 = arith.constant 0 : index
    %get3A_9 = arith.constant 0 : index
    %get3A_10 = vector.load %arg1[%get3A_7, %get3A_8, %get3A_9] : memref<2x632x48xf32, #tpu.memory_space<vmem>>, vector<1x632x48xf32>
    %get3A_11 = vector.shape_cast %get3A_10 : vector<1x632x48xf32> to vector<632x48xf32>
    %add3A = arith.addf %get3A_6, %get3A_11 : vector<632x48xf32>
    %get3A_12 = arith.constant 0 : index
    %get3A_13 = arith.constant 0 : index
    %get3A_14 = vector.load %arg2[%get3A_12, %get3A_13] : memref<632x48xf32, #tpu.memory_space<vmem>>, vector<632x48xf32>
    %add3A_15 = arith.addf %add3A, %get3A_14 : vector<632x48xf32>
    %mul3A = vector.broadcast %get3A_1 : vector<632x1xf32> to vector<632x48xf32>
    %mul3A_16 = arith.mulf %mul3A, %add3A_15 : vector<632x48xf32>
    %get3A_17 = arith.constant 0 : index
    %get3A_18 = arith.constant 0 : index
    %get3A_19 = vector.load %arg3[%get3A_17, %get3A_18] : memref<632x48xf32, #tpu.memory_space<vmem>>, vector<632x48xf32>
    %get3A_20 = arith.constant 0 : index
    %get3A_21 = arith.constant 0 : index
    %get3A_22 = vector.load %arg5[%get3A_20, %get3A_21] : memref<1x1xf32, #tpu.memory_space<vmem>>, vector<1x1xf32>
    %mul3A_23 = vector.broadcast %get3A_22 : vector<1x1xf32> to vector<632x48xf32>
    %mul3A_24 = arith.mulf %mul3A_23, %mul3A_16 : vector<632x48xf32>
    %add3A_25 = arith.addf %get3A_19, %mul3A_24 : vector<632x48xf32>
    %swap3A = arith.constant 0 : index
    %swap3A_26 = arith.constant 0 : index
    %swap3A_27 = vector.load %arg6[%swap3A, %swap3A_26] : memref<632x48xf32, #tpu.memory_space<vmem>>, vector<632x48xf32>
    tpu.vector_store %arg6[%swap3A, %swap3A_26], %add3A_25 {strides = array<i32>} : memref<632x48xf32, #tpu.memory_space<vmem>>, vector<632x48xf32>,
    %mul3A_28 = vector.broadcast %get3A_1 : vector<632x1xf32> to vector<632x48xf32>
    %mul3A_29 = arith.mulf %mul3A_28, %mul3A_16 : vector<632x48xf32>
    %swap3A_30 = arith.constant 0 : index
    %swap3A_31 = arith.constant 0 : index
    %swap3A_32 = vector.load %arg7[%swap3A_30, %swap3A_31] : memref<632x48xf32, #tpu.memory_space<vmem>>, vector<632x48xf32>
    tpu.vector_store %arg7[%swap3A_30, %swap3A_31], %mul3A_29 {strides = array<i32>} : memref<632x48xf32, #tpu.memory_space<vmem>>, vector<632x48xf32>,
    return
  }
  func.func @transform_0(%arg0: i32) -> (i32, i32, i32) {
    %c0_i32 = arith.constant 0 : i32
    %c0_i32_0 = arith.constant 0 : i32
    %c0_i32_1 = arith.constant 0 : i32
    return %c0_i32, %arg0, %c0_i32_0 : i32, i32, i32
  }
  func.func @transform_1(%arg0: i32) -> (i32, i32) {
    %c0_i32 = arith.constant 0 : i32
    %c0_i32_0 = arith.constant 0 : i32
    return %arg0, %c0_i32 : i32, i32
  }
  func.func @transform_2(%arg0: i32) -> (i32, i32) {
    %c0_i32 = arith.constant 0 : i32
    %c0_i32_0 = arith.constant 0 : i32
    return %arg0, %c0_i32 : i32, i32
  }
  func.func @transform_3(%arg0: i32) -> (i32, i32) {
    %c0_i32 = arith.constant 0 : i32
    %c0_i32_0 = arith.constant 0 : i32
    return %arg0, %c0_i32 : i32, i32
  }
  func.func @transform_4(%arg0: i32) -> (i32, i32) {
    %c0_i32 = arith.constant 0 : i32
    %c0_i32_0 = arith.constant 0 : i32
    %c0_i32_1 = arith.constant 0 : i32
    return %c0_i32, %c0_i32_0 : i32, i32
  }
  func.func @transform_5(%arg0: i32) -> (i32, i32) {
    %c0_i32 = arith.constant 0 : i32
    %c0_i32_0 = arith.constant 0 : i32
    return %arg0, %c0_i32 : i32, i32
  }
  func.func @transform_6(%arg0: i32) -> (i32, i32) {
    %c0_i32 = arith.constant 0 : i32
    %c0_i32_0 = arith.constant 0 : i32
    return %arg0, %c0_i32 : i32, i32
  }
}

module attributes {stable_mosaic.version = 14 : i64} {
  func.func @_disinit_body(%arg0: i32, %arg1: memref<2x632x48xf32, #tpu.memory_space<vmem>>, %arg2: memref<632x48xf32, #tpu.memory_space<vmem>>, %arg3: memref<1x1xf32, #tpu.memory_space<vmem>>, %arg4: memref<632x1xf32, #tpu.memory_space<vmem>>, %arg5: memref<632x48xf32, #tpu.memory_space<vmem>>, %arg6: memref<632x48xf32, #tpu.memory_space<vmem>>) attributes {dimension_semantics = [#tpu.dimension_semantics<arbitrary>], iteration_bounds = array<i64: 16>, scalar_prefetch = 0 : i64, scratch_operands = 0 : i64, tpu.core_type = #tpu.core_type<tc>, window_params = [{transform_indices = @transform_0, window_bounds = array<i64: 2, 632, 48>}, {transform_indices = @transform_1, window_bounds = array<i64: 632, 48>}, {pipeline_mode = #tpu.pipeline_mode<synchronous>, transform_indices = @transform_2, window_bounds = array<i64: 1, 1>}, {transform_indices = @transform_3, window_bounds = array<i64: 632, 1>}, {transform_indices = @transform_4, window_bounds = array<i64: 632, 48>}, {transform_indices = @transform_5, window_bounds = array<i64: 632, 48>}]} {
    %get3A = arith.constant 0 : index
    %get3A_0 = arith.constant 0 : index
    %get3A_1 = arith.constant 0 : index
    %get3A_2 = vector.load %arg1[%get3A, %get3A_0, %get3A_1] : memref<2x632x48xf32, #tpu.memory_space<vmem>>, vector<1x632x1xf32>
    %get3A_3 = vector.shape_cast %get3A_2 : vector<1x632x1xf32> to vector<632xf32>
    %get3A_4 = arith.constant 1 : index
    %get3A_5 = arith.constant 0 : index
    %get3A_6 = arith.constant 0 : index
    %get3A_7 = vector.load %arg1[%get3A_4, %get3A_5, %get3A_6] : memref<2x632x48xf32, #tpu.memory_space<vmem>>, vector<1x632x1xf32>
    %get3A_8 = vector.shape_cast %get3A_7 : vector<1x632x1xf32> to vector<632xf32>
    %add3A = arith.addf %get3A_3, %get3A_8 : vector<632xf32>
    %add3A_9 = arith.constant 1.000000e+00 : f32
    %add3A_10 = vector.broadcast %add3A_9 : f32 to vector<632xf32>
    %add3A_11 = arith.addf %add3A, %add3A_10 : vector<632xf32>
    %reshape3A = vector.shape_cast %add3A_11 : vector<632xf32> to vector<632x1xf32>
    %rsqrt3A = math.rsqrt %reshape3A : vector<632x1xf32>
    %get3A_12 = arith.constant 0 : index
    %get3A_13 = arith.constant 0 : index
    %get3A_14 = vector.load %arg2[%get3A_12, %get3A_13] : memref<632x48xf32, #tpu.memory_space<vmem>>, vector<632x48xf32>
    %swap3A = arith.constant 0 : index
    %swap3A_15 = arith.constant 0 : index
    %swap3A_16 = vector.load %arg4[%swap3A, %swap3A_15] : memref<632x1xf32, #tpu.memory_space<vmem>>, vector<632x1xf32>
    tpu.vector_store %arg4[%swap3A, %swap3A_15], %rsqrt3A {strides = array<i32>} : memref<632x1xf32, #tpu.memory_space<vmem>>, vector<632x1xf32>,
    %mul3A = vector.broadcast %rsqrt3A : vector<632x1xf32> to vector<632x48xf32>
    %mul3A_17 = arith.mulf %mul3A, %get3A_14 : vector<632x48xf32>
    %swap3A_18 = arith.constant 0 : index
    %swap3A_19 = arith.constant 0 : index
    %swap3A_20 = vector.load %arg5[%swap3A_18, %swap3A_19] : memref<632x48xf32, #tpu.memory_space<vmem>>, vector<632x48xf32>
    tpu.vector_store %arg5[%swap3A_18, %swap3A_19], %mul3A_17 {strides = array<i32>} : memref<632x48xf32, #tpu.memory_space<vmem>>, vector<632x48xf32>,
    %get3A_21 = arith.constant 0 : index
    %get3A_22 = arith.constant 0 : index
    %get3A_23 = vector.load %arg3[%get3A_21, %get3A_22] : memref<1x1xf32, #tpu.memory_space<vmem>>, vector<1x1xf32>
    %mul3A_24 = vector.broadcast %get3A_23 : vector<1x1xf32> to vector<632x48xf32>
    %mul3A_25 = arith.mulf %mul3A_24, %get3A_14 : vector<632x48xf32>
    %swap3A_26 = arith.constant 0 : index
    %swap3A_27 = arith.constant 0 : index
    %swap3A_28 = vector.load %arg6[%swap3A_26, %swap3A_27] : memref<632x48xf32, #tpu.memory_space<vmem>>, vector<632x48xf32>
    tpu.vector_store %arg6[%swap3A_26, %swap3A_27], %mul3A_25 {strides = array<i32>} : memref<632x48xf32, #tpu.memory_space<vmem>>, vector<632x48xf32>,
    return
  }
  func.func @transform_0(%arg0: i32) -> (i32, i32, i32) {
    %c0_i32 = arith.constant 0 : i32
    %c0_i32_0 = arith.constant 0 : i32
    %c0_i32_1 = arith.constant 0 : i32
    return %c0_i32, %arg0, %c0_i32_0 : i32, i32, i32
  }
  func.func @transform_1(%arg0: i32) -> (i32, i32) {
    %c0_i32 = arith.constant 0 : i32
    %c0_i32_0 = arith.constant 0 : i32
    return %arg0, %c0_i32 : i32, i32
  }
  func.func @transform_2(%arg0: i32) -> (i32, i32) {
    %c0_i32 = arith.constant 0 : i32
    %c0_i32_0 = arith.constant 0 : i32
    %c0_i32_1 = arith.constant 0 : i32
    return %c0_i32, %c0_i32_0 : i32, i32
  }
  func.func @transform_3(%arg0: i32) -> (i32, i32) {
    %c0_i32 = arith.constant 0 : i32
    %c0_i32_0 = arith.constant 0 : i32
    return %arg0, %c0_i32 : i32, i32
  }
  func.func @transform_4(%arg0: i32) -> (i32, i32) {
    %c0_i32 = arith.constant 0 : i32
    %c0_i32_0 = arith.constant 0 : i32
    return %arg0, %c0_i32 : i32, i32
  }
  func.func @transform_5(%arg0: i32) -> (i32, i32) {
    %c0_i32 = arith.constant 0 : i32
    %c0_i32_0 = arith.constant 0 : i32
    return %arg0, %c0_i32 : i32, i32
  }
}

module attributes {stable_mosaic.version = 14 : i64} {
  func.func @_softmax_body(%arg0: i32, %arg1: memref<632x48xf32, #tpu.memory_space<vmem>>, %arg2: memref<632x48xf32, #tpu.memory_space<vmem>>, %arg3: memref<632x48xf32, #tpu.memory_space<vmem>>) attributes {dimension_semantics = [#tpu.dimension_semantics<arbitrary>], iteration_bounds = array<i64: 16>, scalar_prefetch = 0 : i64, scratch_operands = 0 : i64, tpu.core_type = #tpu.core_type<tc>, window_params = [{transform_indices = @transform_0, window_bounds = array<i64: 632, 48>}, {transform_indices = @transform_1, window_bounds = array<i64: 632, 48>}, {transform_indices = @transform_2, window_bounds = array<i64: 632, 48>}]} {
    %get3A = arith.constant 0 : index
    %get3A_0 = arith.constant 0 : index
    %get3A_1 = vector.load %arg1[%get3A, %get3A_0] : memref<632x48xf32, #tpu.memory_space<vmem>>, vector<632x48xf32>
    %iota3A = tpu.iota {dimensions = array<i32: 1>} : vector<632x48xi32>
    %lt3A = arith.constant 40 : i32
    %lt3A_2 = vector.broadcast %lt3A : i32 to vector<632x48xi32>
    %lt3A_3 = arith.cmpi slt, %iota3A, %lt3A_2 : vector<632x48xi32>
    %jit3A = arith.constant -1.000000e+30 : f32
    %broadcast_in_dim3A = vector.broadcast %jit3A : f32 to vector<632x48xf32>
    %select_n3A = arith.select %lt3A_3, %get3A_1, %broadcast_in_dim3A : vector<632x48xi1>, vector<632x48xf32>
    %reduce_max3A = arith.constant dense<0xFF800000> : vector<632xf32>
    %reduce_max3A_4 = vector.multi_reduction <maximumf>, %select_n3A, %reduce_max3A [1] : vector<632x48xf32> to vector<632xf32>
    %broadcast_in_dim3A_5 = vector.shape_cast %reduce_max3A_4 : vector<632xf32> to vector<632x1xf32>
    %sub3A = vector.broadcast %broadcast_in_dim3A_5 : vector<632x1xf32> to vector<632x48xf32>
    %sub3A_6 = arith.subf %select_n3A, %sub3A : vector<632x48xf32>
    %exp3A = math.exp %sub3A_6 : vector<632x48xf32>
    %reduce_sum3A = arith.constant dense<0.000000e+00> : vector<632xf32>
    %reduce_sum3A_7 = vector.multi_reduction <add>, %exp3A, %reduce_sum3A [1] : vector<632x48xf32> to vector<632xf32>
    %broadcast_in_dim3A_8 = vector.shape_cast %reduce_sum3A_7 : vector<632xf32> to vector<632x1xf32>
    %div3A = vector.broadcast %broadcast_in_dim3A_8 : vector<632x1xf32> to vector<632x48xf32>
    %div3A_9 = arith.divf %exp3A, %div3A : vector<632x48xf32>
    %swap3A = arith.constant 0 : index
    %swap3A_10 = arith.constant 0 : index
    %swap3A_11 = vector.load %arg3[%swap3A, %swap3A_10] : memref<632x48xf32, #tpu.memory_space<vmem>>, vector<632x48xf32>
    tpu.vector_store %arg3[%swap3A, %swap3A_10], %div3A_9 {strides = array<i32>} : memref<632x48xf32, #tpu.memory_space<vmem>>, vector<632x48xf32>,
    %sub3A_12 = vector.broadcast %broadcast_in_dim3A_5 : vector<632x1xf32> to vector<632x48xf32>
    %sub3A_13 = arith.subf %select_n3A, %sub3A_12 : vector<632x48xf32>
    %log3A = math.log %broadcast_in_dim3A_8 : vector<632x1xf32>
    %sub3A_14 = vector.broadcast %log3A : vector<632x1xf32> to vector<632x48xf32>
    %sub3A_15 = arith.subf %sub3A_13, %sub3A_14 : vector<632x48xf32>
    %swap3A_16 = arith.constant 0 : index
    %swap3A_17 = arith.constant 0 : index
    %swap3A_18 = vector.load %arg2[%swap3A_16, %swap3A_17] : memref<632x48xf32, #tpu.memory_space<vmem>>, vector<632x48xf32>
    tpu.vector_store %arg2[%swap3A_16, %swap3A_17], %sub3A_15 {strides = array<i32>} : memref<632x48xf32, #tpu.memory_space<vmem>>, vector<632x48xf32>,
    return
  }
  func.func @transform_0(%arg0: i32) -> (i32, i32) {
    %c0_i32 = arith.constant 0 : i32
    %c0_i32_0 = arith.constant 0 : i32
    return %arg0, %c0_i32 : i32, i32
  }
  func.func @transform_1(%arg0: i32) -> (i32, i32) {
    %c0_i32 = arith.constant 0 : i32
    %c0_i32_0 = arith.constant 0 : i32
    return %arg0, %c0_i32 : i32, i32
  }
  func.func @transform_2(%arg0: i32) -> (i32, i32) {
    %c0_i32 = arith.constant 0 : i32
    %c0_i32_0 = arith.constant 0 : i32
    return %arg0, %c0_i32 : i32, i32
  }
}

</mosaic_0001>

<sc_bundles>
// kernel: closed_call.20.cloned.1.call-start
scs
__scs_entry_jumppad:
0x0: {  	(pc) =	sbr.rel $0x88, $3  }
0x1: {  	(tag) =	ssettag $0x0;
	lr =	simm.s32 $0x1  }
0x2: {  	[smem:$0x3F9A] =	sst lr;
	_ =	strace $0xD0000000  }
0x3: {  	_ = 	snop  }
0x4: {  	_ = 	snop  }
0x5: {  	_ = 	snop  }
0x6: {  	_ = 	snop  }
0x7: {  	_ = 	snop  }
__scs_overlays_trampoline_lowered:
0x8: {  	[smem:$0x3FA9] =	sst s0  }
0x9: {  	[smem:$0x3FAA] =	sst s1  }
0xa: {  	[smem:$0x3FAB] =	sst s2  }
0xb: {  	[smem:$0x3FAC] =	sst s3  }
0xc: {  	[smem:$0x3FAD] =	sst s4  }
0xd: {  	[smem:$0x3FAE] =	sst s5  }
0xe: {  	[smem:$0x3FAF] =	sst s6  }
0xf: {  	[smem:$0x3FB0] =	sst s7  }
0x10: {  	[smem:$0x3FB1] =	sst s8  }
0x11: {  	[smem:$0x3FB2] =	sst s9;
	s0 =	simm.s32 @!p0 $0x0  }
0x12: {  	s1 =	sld [smem:$0x3F98];
	s0 =	simm.s32 @p0 $0x1  }
0x13: {  	[smem:$0x3FB3] =	sst s0;
	s0 =	simm.s32 @!p1 $0x0  }
0x14: {  	s2 =	sld [smem:$0x3F97];
	s0 =	simm.s32 @p1 $0x1  }
0x15: {  	[smem:$0x3FB4] =	sst s0;
	s0 =	simm.s32 @!p2 $0x0  }
0x16: {  	s3 =	sld [smem:$0x3FDB];
	s0 =	simm.s32 @p2 $0x1  }
0x17: {  	s4 =	simm.s32 $0x1BF5;
	[smem:$0x3FB6] =	sst s0  }
0x18: {  	s0 =	sld [smem:$0x3F99];
	_ =	swait.ge [sflag:s4], $0x0  }
0x19: {  	s7 =	sld [smem:$0x3F9A]  }
0x1a: {  	s8 =	sadd.s32 $0xFFFFE003, lr  }
0x1b: {  	s9 =	sadd.s32 $0xFFFFFEF7, lr;
	s5 =	simm.s32 $0xFFFFFFFF;
	p2 =	slt.u32 s8, $0xFFFFF086  }
0x1c: {  	p1 =	slt.u32 s9, $0xF7A;
	s5 =	simm.s32 @!p2 $0x0  }
0x1d: {  	s5 =	simm.s32 @p1 $0x1;
	p0 =	seq.s32 s7, s2  }
0x1e: {  	s7 =	smul.u32 @!p0 $0xF7A, s2;
	p2 =	seq.s32 @!p0 s5, $0x0  }
0x1f: {  	s9 =	smul.u32 $0xF7A, s1;
	s8 =	simm.s32 @!p0 $0x1BF5;
	p2 =	por !p2, p0  }
0x20: {  	[sflag:s8] =	ssyncset.s32 @!p0 $0xFFFFF086;
	s6 =	sadd.s32 @!p0 s3, s7;
	s7 =	simm.s32 @!p0 $0x108  }
0x21: {  	s3 =	sadd.s32 s3, s9;
	s6 =	sadd.s32 @!p0 $0x88, s6;
	s7 =	simm.s32 @p2 $0x1082  }
0x22: {  	[simem:s7], [sflag:s8] =	dma.local @!p0 [hbm:s6], $0xF7A  }
0x23: {  	s9 =	sor.u32 $0xD0000000, s2;
	s6 =	simm.s32 $0x108;
	_ =	swait.ge @!p0 [sflag:s8], $0x0  }
0x24: {  	s3 =	sadd.s32 $0x88, s3;
	s6 =	simm.s32 @!p1 $0x1082;
	[sflag:s4] =	ssyncset.s32 $0xFFFFF086  }
0x25: {  	[simem:s6], [sflag:s4] =	dma.local [hbm:s3], $0xF7A  }
0x26: {  	[smem:$0x3F9A] =	sst s1;
	(tag) =	ssettag s2;
	_ =	strace s9  }
0x27: {  	s1 =	sld [smem:$0x3FAA]  }
0x28: {  	s2 =	sld [smem:$0x3FAB]  }
0x29: {  	s4 =	sld [smem:$0x3FAD]  }
0x2a: {  	p0 =	seq.s32 s5, $0x0;
	s5 =	sld [smem:$0x3FAE]  }
0x2b: {  	s6 =	sld [smem:$0x3FAF]  }
0x2c: {  	s7 =	sld [smem:$0x3FB0]  }
0x2d: {  	s3 =	simm.s32 $0x108;
	s8 =	sld [smem:$0x3FB1]  }
0x2e: {  	s3 =	simm.s32 @!p0 $0x1082;
	s9 =	sld [smem:$0x3FB2]  }
0x2f: {  	lr =	sadd.s32 s0, s3;
	s0 =	sld [smem:$0x3FA9]  }
0x30: {  	s3 =	sld [smem:$0x3FAC]  }
0x31: {  	[smem:$0x3FB5] =	sst s10  }
0x32: {  	s10 =	sld [smem:$0x3FB3];
	_ =	sdelay $0x3  }
0x33: {  	p0 =	seq.s32 s10, $0x1;
	s10 =	sld [smem:$0x3FB5];
	_ =	sdelay $0x3  }
0x34: {  	[smem:$0x3FB5] =	sst s10  }
0x35: {  	s10 =	sld [smem:$0x3FB4];
	_ =	sdelay $0x3  }
0x36: {  	p1 =	seq.s32 s10, $0x1;
	s10 =	sld [smem:$0x3FB5];
	_ =	sdelay $0x3  }
0x37: {  	[smem:$0x3FB5] =	sst s10  }
0x38: {  	s10 =	sld [smem:$0x3FB6]  }
0x39: {  	_ = 	snop;
	(pc) =	sbr.ind lr, $3  }
0x3a: {  	_ = 	snop  }
0x3b: {  	_ = 	snop  }
0x3c: {  	p2 =	seq.s32 s10, $0x1;
	s10 =	sld [smem:$0x3FB5]  }
0x3d: {  	_ =	shalt  }
0x3e: {  	_ =	shalt  }
0x3f: {  	_ =	shalt  }
0x40: {  	_ =	shalt  }
0x41: {  	_ =	shalt  }
0x42: {  	_ =	shalt  }
0x43: {  	_ =	shalt  }
0x44: {  	_ =	shalt  }
0x45: {  	_ =	shalt  }
0x46: {  	_ =	shalt  }
0x47: {  	_ =	shalt  }
0x48: {  	_ =	shalt  }
0x49: {  	_ =	shalt  }
0x4a: {  	_ =	shalt  }
0x4b: {  	_ =	shalt  }
0x4c: {  	_ =	shalt  }
0x4d: {  	_ =	shalt  }
0x4e: {  	_ =	shalt  }
0x4f: {  	_ =	shalt  }
0x50: {  	_ =	shalt  }
0x51: {  	_ =	shalt  }
0x52: {  	_ =	shalt  }
0x53: {  	_ =	shalt  }
0x54: {  	_ =	shalt  }
0x55: {  	_ =	shalt  }
0x56: {  	_ =	shalt  }
0x57: {  	_ =	shalt  }
0x58: {  	_ =	shalt  }
0x59: {  	_ =	shalt  }
0x5a: {  	_ =	shalt  }
0x5b: {  	_ =	shalt  }
0x5c: {  	_ =	shalt  }
0x5d: {  	_ =	shalt  }
0x5e: {  	_ =	shalt  }
0x5f: {  	_ =	shalt  }
0x60: {  	_ =	shalt  }
0x61: {  	_ =	shalt  }
0x62: {  	_ =	shalt  }
0x63: {  	_ =	shalt  }
0x64: {  	_ =	shalt  }
0x65: {  	_ =	shalt  }
0x66: {  	_ =	shalt  }
0x67: {  	_ =	shalt  }
0x68: {  	_ =	shalt  }
0x69: {  	_ =	shalt  }
0x6a: {  	_ =	shalt  }
0x6b: {  	_ =	shalt  }
0x6c: {  	_ =	shalt  }
0x6d: {  	_ =	shalt  }
0x6e: {  	_ =	shalt  }
0x6f: {  	_ =	shalt  }
0x70: {  	_ =	shalt  }
0x71: {  	_ =	shalt  }
0x72: {  	_ =	shalt  }
0x73: {  	_ =	shalt  }
0x74: {  	_ =	shalt  }
0x75: {  	_ =	shalt  }
0x76: {  	_ =	shalt  }
0x77: {  	_ =	shalt  }
0x78: {  	_ =	shalt  }
0x79: {  	_ =	shalt  }
0x7a: {  	_ =	shalt  }
0x7b: {  	_ =	shalt  }
0x7c: {  	_ =	shalt  }
0x7d: {  	_ =	shalt  }
0x7e: {  	_ =	shalt  }
0x7f: {  	_ =	shalt  }
0x80: {  	_ =	shalt  }
0x81: {  	_ =	shalt  }
0x82: {  	_ =	shalt  }
0x83: {  	_ =	shalt  }
0x84: {  	_ =	shalt  }
0x85: {  	_ =	shalt  }
0x86: {  	_ =	shalt  }
0x87: {  	_ =	shalt  }
.Lfunc_end0:
.L_simem_size_0:
called_computation_lowered:
.L_overlay_start_0:
0x88: {  	s2 =	sld [smem:$0x3FD9]  }
0x89: {  	s3 =	sld [smem:$0x3FFE];
	_ =	sdelay $0x1  }
0x8a: {  	s1 =	srdreg.scid  }
0x8b: {  	s0 =	sand.u32 $0x1, s1  }
0x8c: {  	s14 =	sshll.u32 s0, $0xA;
	s2 =	sadd.s32 s3, s2  }
0x8d: {  	s2 =	sadd.s32 s2, s14  }
0x8e: {  	[smem:$0x3FC1] =	sst s2  }
0x8f: {  	_ = 	snop  }
0x90: {  	s2 =	sld [smem:$0x3FD0];
	_ =	sdelay $0x2  }
0x91: {  	s15 =	simm.s32 $0xA;
	s4 =	simm.s32 $0x10  }
0x92: {  	[smem:s4], [sflag:s15] =	dma.local [hbm:s2], $0x1  }
0x93: {  	_ =	swait.eq [sflag:s15], $0x1  }
0x94: {  	[sflag:s15] =	ssyncset.done $0x0  }
0x95: {  	s16 =	sld [smem:$0x10];
	[sflag:s15] =	ssyncadd.s32 $0xFFFFFFFF  }
0x96: {  	s17 =	sld [smem:$0x11];
	(tm) =	ssettm $0x1  }
0x97: {  	s18 =	sld [smem:$0x3FFB];
	_ =	sdelay $0x3  }
0x98: {  	_ =	strace s18  }
0x99: {  	s4 =	sld [smem:$0x3FFC];
	_ =	sdelay $0x3  }
0x9a: {  	_ =	strace s4  }
0x9b: {  	s4 =	sld [smem:$0x3FFD];
	_ =	sdelay $0x3  }
0x9c: {  	_ =	strace s4  }
0x9d: {  	_ =	strace $0x8FFFFFFF  }
0x9e: {  	s19 =	sld [smem:$0x3FDB];
	_ =	sdelay $0x1  }
0x9f: {  	s5 =	simm.s32 $_scs_section_size  }
0xa0: {  	s6 =	simm.s32 $_size__tile_overlayer_lowered;
	s7 =	simm.s32 $_tile_overlayer_lowered  }
0xa1: {  	s22 =	simm.s32 $0x1BFF;
	s21 =	sshll.u32 s7, $0x1;
	s4 =	sadd.s32 s5, s19  }
0xa2: {  	s8 =	simm.s32 $0x0;
	s20 =	sshll.u32 s6, $0x1;
	s6 =	sadd.s32 s21, s4  }
0xa3: {  	[timem:s8], [sflag:s22] =	dma.local [hbm:s6], s20  }
0xa4: {  	_ =	swait.ge [sflag:s22], s20  }
0xa5: {  	s5 =	ssub.s32 $0x0, s20;
	[sflag:s22] =	ssyncset.done $0x0  }
0xa6: {  	[sflag:s22] =	ssyncadd.s32 s5;
	_ =	sdelay $0x1  }
0xa7: {  	s23 =	simm.s32 $0x1B8B  }
0xa8: {  	_ =	swait.ge [sflag:s23], $0x1  }
0xa9: {  	[sflag:s23] =	ssyncset.done $0x0  }
0xaa: {  	s25 =	simm.s32 $0x1B8E;
	s24 =	sld [smem:$0x3FFE];
	[sflag:s23] =	ssyncadd.s32 $0xFFFFFFFF  }
0xab: {  	s26 =	simm.s32 $execute0_lowered;
	[smem:$0x3FD2] =	sst s25  }
0xac: {  	s6 =	sshll.u32 s26, $0x1;
	_ =	strace $0x80000049;
	[dreg:$0x1] =	wrdreg $0xFFFFFFFF  }
0xad: {  	s28 =	simm.s32 $_size_execute0_lowered;
	s4 =	sadd.s32 s4, s6;
	[dreg:$0x0] =	wrdreg $0x0  }
0xae: {  	s6 =	sshll.u32 s28, $0x1;
	[dreg:$0x2] =	wrdreg s4  }
0xaf: {  	[dreg:$0x3] =	wrdreg s6  }
0xb0: {  	[dreg:$0x4] =	wrdreg $0xC0  }
0xb1: {  	_ =	task [dreg:s8], $0x5FFFF  }
0xb2: {  	[dreg:$0x1] =	wrdreg $0xFFFFFFFF  }
0xb3: {  	[dreg:$0x0] =	wrdreg $0x60  }
0xb4: {  	[dreg:$0x2] =	wrdreg s24  }
0xb5: {  	[dreg:$0x3] =	wrdreg s17  }
0xb6: {  	[dreg:$0x4] =	wrdreg s16  }
0xb7: {  	[dreg:$0x5] =	wrdreg $0xB0000  }
0xb8: {  	[dreg:$0x6] =	wrdreg $0x126800  }
0xb9: {  	[dreg:$0x7] =	wrdreg $0x9  }
0xba: {  	_ =	task.clear_ibuf [dreg:s8], $0x8FFFF;
	_ =	strace $0x90000049  }
0xbb: {  	s29 =	simm.s32 $0x9;
	_ =	strace $0x8000004B  }
0xbc: {  	_ =	swait.ge [sflag:s29], $0x1  }
0xbd: {  	[sflag:s29] =	ssyncadd.s32 $0xFFFFFFFF  }
0xbe: {  	_ =	strace $0x9000004B  }
0xbf: {  	_ =	sfence  }
0xc0: {  	s30 =	sld [smem:$0x0];
	_ =	sdelay $0x2  }
0xc1: {  	s31 =	sshll.u32 s1, $0xD;
	s1 =	sshrl.u32 s1, $0x2  }
0xc2: {  	s3 =	sand.u32 $0x4000, s31;
	s1 =	sadd.s32 s1, s30  }
0xc3: {  	s0 =	sor.u32 s3, s0;
	s1 =	sshll.u32 s1, $0x11  }
0xc4: {  	s0 =	sor.u32 s1, s0  }
0xc5: {  	s0 =	sadd.s32 $0x8F2B, s0  }
0xc6: {  	[sflag:s0] =	ssyncadd.remote.s32 $0x1  }
0xc7: {  	_ =	sfence.sel $0xFFFF  }
0xc8: {  	[dreg:$0x0] =	wrdreg $0xFFFFFFFF;
	(pc) =	sbr.abs _section_cstart, $3  }
0xc9: {  	[dreg:$0x1] =	wrdreg $0xFFFFFFFF  }
0xca: {  	_ =	task.clear_ibuf [dreg:s8], $0x2FFFF;
	_ =	strace $0x9FFFFFFF  }
0xcb: {  	(tm) =	ssettm $0x7FFFFFFF  }
tec
execute0_lowered:
.L_overlay_start_1:
0x0: {  	(tag) =	ssettag $0x1  }
0x1: {  	s0 =	rddreg [dreg:$0x0]  }
0x2: {  	s1 =	rddreg [dreg:$0x1]  }
0x3: {  	s3 =	rddreg [dreg:$0x3]  }
0x4: {  	s4 =	rddreg [dreg:$0x4]  }
0x5: {  	s2 =	srdreg.scid;
	s13 =	stileid.u32;
	s5 =	simm.s32 $0x0  }
0x6: {  	s12 =	simm.s32 $0x2800;
	s16 =	simm.s32 $0x80;
	s17 =	simm.s32 $0x5000  }
0x7: {  	s18 =	simm.s32 $0x6800;
	s20 =	simm.s32 $0x8000;
	s22 =	simm.s32 $0x9800  }
0x8: {  	s23 =	simm.s32 $0x1;
	s24 =	simm.s32 $0x5;
	s29 =	simm.s32 $0x6  }
0x9: {  	s31 =	simm.s32 $0x3;
	s19 =	simm.s32 $0x4;
	s25 =	simm.s32 $0x8  }
0xa: {  	s21 =	simm.s32 $0x4F80;
	s28 =	simm.s32 $0x0;
	s2 =	sand.u32 $0x1, s2  }
0xb: {  	s8 =	smul.u32 $0x7680, s13;
	[smem:$0x7FF] =	sst s5;
	s30 =	sshll.u32 s13, $0x6  }
0xc: {  	s6 =	sshll.u32 s2, $0x4;
	s7 =	smul.u32 $0x76800, s2;
	_ =	strace $0x8000004A  }
0xd: {  	s2 =	ssub.s32 $0x2, s2;
	s6 =	sor.u32 s13, s6;
	s9 =	sshrl.u32 s8, $0x3  }
0xe: {  	s11 =	sshrl.u32 s2, $0x1;
	s26 =	sadd.s32 s8, s3;
	s15 =	sadd.s32 s8, s4  }
0xf: {  	s13 =	sor.u32 $0x1C09, s30;
	s6 =	smul.u32 $0x500, s6;
	s9 =	sadd.s32 s9, s0  }
0x10: {  	s7 =	sadd.s32 s8, s7;
	s2 =	ssub.s32 s2, s11;
	s11 =	simm.s32 $0x9  }
0x11: {  	s14 =	sshrl.u32 s26, $0x3;
	s15 =	sshrl.u32 s15, $0x3;
	s26 =	simm.s32 $0x2  }
0x12: {  	s7 =	sshrl.u32 s7, $0x3;
	s8 =	sadd.s32 $0x34A00, s9;
	s10 =	sadd.s32 s6, s0  }
0x13: {  	s0 =	sadd.s32 s7, s0;
	s6 =	sadd.s32 s1, s6;
	s7 =	sadd.s32 $0x2E00, s10  }
0x14: {  	s9 =	sadd.s32 $0x43800, s0;
	s10 =	smax.u32 s2, $0x1;
	s2 =	simm.s32 $0x7  }
.LBB2_1:
0x15: {  	[tilespmem:s5], [sflag:$0x9] =	stream.linear.gather [hbm4b:s6+s5], $0x2800, $0x38;
	[tilespmem:$0x19D00] =	vst v63  }
0x16: {  	_ =	swait.ge [sflag:s11], $0x2800  }
0x17: {  	[sflag:s11] =	ssyncset.done $0x0  }
0x18: {  	[sflag:s11] =	ssyncadd.s32 $0xFFFFD800  }
0x19: {  	[tilespmem:s12], [sflag:$0x9] =	stream.linear.gather [hbm4b:s7+s5], $0x2800, $0x38;
	[tilespmem:$0x19D00] =	vst v63  }
0x1a: {  	_ =	swait.ge [sflag:s11], $0x2800  }
0x1b: {  	[sflag:s11] =	ssyncset.done $0x0  }
0x1c: {  	[sflag:s11] =	ssyncadd.s32 $0xFFFFD800  }
0x1d: {  	s0 =	rddreg [dreg:$0x2]  }
0x1e: {  	[spmem:s14], [sflag:s13] =	dma.local [hbm:s0], $0xED0  }
0x1f: {  	_ =	swait.ge [sflag:s11], $0xED0  }
0x20: {  	[sflag:s11] =	ssyncset.done $0x0  }
0x21: {  	[sflag:s11] =	ssyncadd.s32 $0xFFFFF130  }
0x22: {  	[spmem:s15], [sflag:s13] =	dma.local [hbm:s8], $0xED0  }
0x23: {  	_ =	swait.ge [sflag:s11], $0xED0  }
0x24: {  	[sflag:s11] =	ssyncset.done $0x0  }
0x25: {  	[sflag:s11] =	ssyncadd.s32 $0xFFFFF130  }
0x26: {  	[bflag:$0x0] =	sbarrier.arrive $0xFFFF  }
0x27: {  	[tilespmem:s17], [sflag:$0x1] =	stream.indirect.gather [spmem:s4], $0x30, s5, s16, $0xb8;
	[tilespmem:$0x19D00] =	vst v63  }
0x28: {  	_ = 	snop  }
0x29: {  	[tilespmem:s18], [sflag:$0x2] =	stream.indirect.gather [spmem:s4], $0x30, s16, s16, $0xb8;
	[tilespmem:$0x19D00] =	vst v63  }
0x2a: {  	s1 =	simm.s32 $0x100  }
0x2b: {  	[tilespmem:s20], [sflag:$0x3] =	stream.indirect.gather [spmem:s4], $0x30, s1, s16, $0xb8;
	[tilespmem:$0x19D00] =	vst v63  }
0x2c: {  	s1 =	simm.s32 $0x180  }
0x2d: {  	[tilespmem:s22], [sflag:$0x4] =	stream.indirect.gather [spmem:s4], $0x30, s1, s16, $0xb8;
	[tilespmem:$0x19D00] =	vst v63  }
0x2e: {  	_ =	swait.ge [sflag:s23], $0x1800  }
0x2f: {  	[sflag:s23] =	ssyncset.done $0x0  }
0x30: {  	[sflag:s23] =	ssyncadd.s32 $0xFFFFE800  }
0x31: {  	[spmem:s3] =	stream.indirect.scatter.add.f32 [tilespmem:s17], [sflag:$0x5], $0x30, s12, s16, $0xb8;
	[tilespmem:$0x19D00] =	vst v63  }
0x32: {  	_ =	swait.ge [sflag:s24], $0x1800  }
0x33: {  	[sflag:s24] =	ssyncset.done $0x0  }
0x34: {  	s1 =	simm.s32 $0x200;
	[sflag:s24] =	ssyncadd.s32 $0xFFFFE800  }
0x35: {  	[tilespmem:s17], [sflag:$0x1] =	stream.indirect.gather [spmem:s4], $0x30, s1, s16, $0xb8;
	[tilespmem:$0x19D00] =	vst v63  }
0x36: {  	_ =	swait.ge [sflag:s26], $0x1800  }
0x37: {  	[sflag:s26] =	ssyncset.done $0x0  }
0x38: {  	s1 =	simm.s32 $0x2880;
	[sflag:s26] =	ssyncadd.s32 $0xFFFFE800  }
0x39: {  	[spmem:s3] =	stream.indirect.scatter.add.f32 [tilespmem:s18], [sflag:$0x6], $0x30, s1, s16, $0xb8;
	[tilespmem:$0x19D00] =	vst v63  }
0x3a: {  	_ =	swait.ge [sflag:s29], $0x1800  }
0x3b: {  	[sflag:s29] =	ssyncset.done $0x0  }
0x3c: {  	s1 =	simm.s32 $0x280;
	[sflag:s29] =	ssyncadd.s32 $0xFFFFE800  }
0x3d: {  	[tilespmem:s18], [sflag:$0x2] =	stream.indirect.gather [spmem:s4], $0x30, s1, s16, $0xb8;
	[tilespmem:$0x19D00] =	vst v63  }
0x3e: {  	_ =	swait.ge [sflag:s31], $0x1800  }
0x3f: {  	[sflag:s31] =	ssyncset.done $0x0  }
0x40: {  	s1 =	simm.s32 $0x2900;
	[sflag:s31] =	ssyncadd.s32 $0xFFFFE800  }
0x41: {  	[spmem:s3] =	stream.indirect.scatter.add.f32 [tilespmem:s20], [sflag:$0x7], $0x30, s1, s16, $0xb8;
	[tilespmem:$0x19D00] =	vst v63  }
0x42: {  	_ =	swait.ge [sflag:s2], $0x1800  }
0x43: {  	[sflag:s2] =	ssyncset.done $0x0  }
0x44: {  	s1 =	simm.s32 $0x300;
	[sflag:s2] =	ssyncadd.s32 $0xFFFFE800  }
0x45: {  	[tilespmem:s20], [sflag:$0x3] =	stream.indirect.gather [spmem:s4], $0x30, s1, s16, $0xb8;
	[tilespmem:$0x19D00] =	vst v63  }
0x46: {  	_ =	swait.ge [sflag:s19], $0x1800  }
0x47: {  	[sflag:s19] =	ssyncset.done $0x0  }
0x48: {  	s1 =	simm.s32 $0x2980;
	[sflag:s19] =	ssyncadd.s32 $0xFFFFE800  }
0x49: {  	[spmem:s3] =	stream.indirect.scatter.add.f32 [tilespmem:s22], [sflag:$0x8], $0x30, s1, s16, $0xb8;
	[tilespmem:$0x19D00] =	vst v63  }
0x4a: {  	_ =	swait.ge [sflag:s25], $0x1800  }
0x4b: {  	[sflag:s25] =	ssyncset.done $0x0  }
0x4c: {  	s1 =	simm.s32 $0x380;
	[sflag:s25] =	ssyncadd.s32 $0xFFFFE800  }
0x4d: {  	[tilespmem:s22], [sflag:$0x4] =	stream.indirect.gather [spmem:s4], $0x30, s1, s16, $0xb8;
	[tilespmem:$0x19D00] =	vst v63  }
0x4e: {  	_ =	swait.ge [sflag:s23], $0x1800  }
0x4f: {  	[sflag:s23] =	ssyncset.done $0x0  }
0x50: {  	s1 =	simm.s32 $0x2A00;
	[sflag:s23] =	ssyncadd.s32 $0xFFFFE800  }
0x51: {  	[spmem:s3] =	stream.indirect.scatter.add.f32 [tilespmem:s17], [sflag:$0x5], $0x30, s1, s16, $0xb8;
	[tilespmem:$0x19D00] =	vst v63  }
0x52: {  	_ =	swait.ge [sflag:s24], $0x1800  }
0x53: {  	[sflag:s24] =	ssyncset.done $0x0  }
0x54: {  	s1 =	simm.s32 $0x400;
	[sflag:s24] =	ssyncadd.s32 $0xFFFFE800  }
0x55: {  	[tilespmem:s17], [sflag:$0x1] =	stream.indirect.gather [spmem:s4], $0x30, s1, s16, $0xb8;
	[tilespmem:$0x19D00] =	vst v63  }
0x56: {  	_ =	swait.ge [sflag:s26], $0x1800  }
0x57: {  	[sflag:s26] =	ssyncset.done $0x0  }
0x58: {  	s1 =	simm.s32 $0x2A80;
	[sflag:s26] =	ssyncadd.s32 $0xFFFFE800  }
0x59: {  	[spmem:s3] =	stream.indirect.scatter.add.f32 [tilespmem:s18], [sflag:$0x6], $0x30, s1, s16, $0xb8;
	[tilespmem:$0x19D00] =	vst v63  }
0x5a: {  	_ =	swait.ge [sflag:s29], $0x1800  }
0x5b: {  	[sflag:s29] =	ssyncset.done $0x0  }
0x5c: {  	s1 =	simm.s32 $0x480;
	[sflag:s29] =	ssyncadd.s32 $0xFFFFE800  }
0x5d: {  	[tilespmem:s18], [sflag:$0x2] =	stream.indirect.gather [spmem:s4], $0x30, s1, s16, $0xb8;
	[tilespmem:$0x19D00] =	vst v63  }
0x5e: {  	_ =	swait.ge [sflag:s31], $0x1800  }
0x5f: {  	[sflag:s31] =	ssyncset.done $0x0  }
0x60: {  	s1 =	simm.s32 $0x2B00;
	[sflag:s31] =	ssyncadd.s32 $0xFFFFE800  }
0x61: {  	[spmem:s3] =	stream.indirect.scatter.add.f32 [tilespmem:s20], [sflag:$0x7], $0x30, s1, s16, $0xb8;
	[tilespmem:$0x19D00] =	vst v63  }
0x62: {  	_ =	swait.ge [sflag:s2], $0x1800  }
0x63: {  	[sflag:s2] =	ssyncset.done $0x0  }
0x64: {  	s1 =	simm.s32 $0x500;
	[sflag:s2] =	ssyncadd.s32 $0xFFFFE800  }
0x65: {  	[tilespmem:s20], [sflag:$0x3] =	stream.indirect.gather [spmem:s4], $0x30, s1, s16, $0xb8;
	[tilespmem:$0x19D00] =	vst v63  }
0x66: {  	_ =	swait.ge [sflag:s19], $0x1800  }
0x67: {  	[sflag:s19] =	ssyncset.done $0x0  }
0x68: {  	s30 =	simm.s32 $0x800;
	s0 =	simm.s32 $0x2B80;
	[sflag:s19] =	ssyncadd.s32 $0xFFFFE800  }
.LBB2_2:
0x69: {  	[spmem:s3] =	stream.indirect.scatter.add.f32 [tilespmem:s22], [sflag:$0x8], $0x30, s0, s16, $0xb8;
	[tilespmem:$0x19D00] =	vst v63  }
0x6a: {  	s0 =	smov.u32 s30  }
0x6b: {  	p0 =	sne.s32 s30, $0x8800;
	s30 =	sadd.s32 $0x800, s30;
	_ =	swait.ge [sflag:s25], $0x1800  }
0x6c: {  	s0 =	sshra.s32 s0, $0x2;
	[sflag:s25] =	ssyncset.done $0x0  }
0x6d: {  	s1 =	sadd.s32 $0x380, s0;
	[sflag:s25] =	ssyncadd.s32 $0xFFFFE800  }
0x6e: {  	[tilespmem:s22], [sflag:$0x4] =	stream.indirect.gather [spmem:s4], $0x30, s1, s16, $0xb8;
	[tilespmem:$0x19D00] =	vst v63  }
0x6f: {  	_ =	swait.ge [sflag:s23], $0x1800  }
0x70: {  	[sflag:s23] =	ssyncset.done $0x0  }
0x71: {  	s1 =	sadd.s32 $0x2A00, s0;
	[sflag:s23] =	ssyncadd.s32 $0xFFFFE800  }
0x72: {  	[spmem:s3] =	stream.indirect.scatter.add.f32 [tilespmem:s17], [sflag:$0x5], $0x30, s1, s16, $0xb8;
	[tilespmem:$0x19D00] =	vst v63  }
0x73: {  	_ =	swait.ge [sflag:s24], $0x1800  }
0x74: {  	[sflag:s24] =	ssyncset.done $0x0  }
0x75: {  	s1 =	sadd.s32 $0x400, s0;
	[sflag:s24] =	ssyncadd.s32 $0xFFFFE800  }
0x76: {  	[tilespmem:s17], [sflag:$0x1] =	stream.indirect.gather [spmem:s4], $0x30, s1, s16, $0xb8;
	[tilespmem:$0x19D00] =	vst v63  }
0x77: {  	_ =	swait.ge [sflag:s26], $0x1800  }
0x78: {  	[sflag:s26] =	ssyncset.done $0x0  }
0x79: {  	s1 =	sadd.s32 $0x2A80, s0;
	[sflag:s26] =	ssyncadd.s32 $0xFFFFE800  }
0x7a: {  	[spmem:s3] =	stream.indirect.scatter.add.f32 [tilespmem:s18], [sflag:$0x6], $0x30, s1, s16, $0xb8;
	[tilespmem:$0x19D00] =	vst v63  }
0x7b: {  	_ =	swait.ge [sflag:s29], $0x1800  }
0x7c: {  	[sflag:s29] =	ssyncset.done $0x0  }
0x7d: {  	s1 =	sadd.s32 $0x480, s0;
	[sflag:s29] =	ssyncadd.s32 $0xFFFFE800  }
0x7e: {  	[tilespmem:s18], [sflag:$0x2] =	stream.indirect.gather [spmem:s4], $0x30, s1, s16, $0xb8;
	[tilespmem:$0x19D00] =	vst v63  }
0x7f: {  	_ =	swait.ge [sflag:s31], $0x1800  }
0x80: {  	[sflag:s31] =	ssyncset.done $0x0  }
0x81: {  	s1 =	sadd.s32 $0x2B00, s0;
	[sflag:s31] =	ssyncadd.s32 $0xFFFFE800  }
0x82: {  	[spmem:s3] =	stream.indirect.scatter.add.f32 [tilespmem:s20], [sflag:$0x7], $0x30, s1, s16, $0xb8;
	[tilespmem:$0x19D00] =	vst v63  }
0x83: {  	_ =	swait.ge [sflag:s2], $0x1800  }
0x84: {  	[sflag:s2] =	ssyncset.done $0x0  }
.Ltmp0:
0x85: {  	s1 =	sadd.s32 $0x500, s0;
	[sflag:s2] =	ssyncadd.s32 $0xFFFFE800;
	(pc) =	sbr.rel @p0 .LBB2_2-.Ltmp0, $4  }
0x86: {  	[tilespmem:s20], [sflag:$0x3] =	stream.indirect.gather [spmem:s4], $0x30, s1, s16, $0xb8;
	[tilespmem:$0x19D00] =	vst v63  }
0x87: {  	_ =	swait.ge [sflag:s19], $0x1800  }
0x88: {  	[sflag:s19] =	ssyncset.done $0x0  }
0x89: {  	s0 =	sadd.s32 $0x2B80, s0;
	[sflag:s19] =	ssyncadd.s32 $0xFFFFE800  }
0x8a: {  	[spmem:s3] =	stream.indirect.scatter.add.f32 [tilespmem:s22], [sflag:$0x8], $0x30, s0, s16, $0xb8;
	[tilespmem:$0x19D00] =	vst v63  }
0x8b: {  	_ =	swait.ge [sflag:s25], $0x1800  }
0x8c: {  	[sflag:s25] =	ssyncset.done $0x0  }
0x8d: {  	s1 =	simm.s32 $0x2780;
	[sflag:s25] =	ssyncadd.s32 $0xFFFFE800  }
0x8e: {  	[tilespmem:s22], [sflag:$0x4] =	stream.indirect.gather [spmem:s4], $0x30, s1, s16, $0xb8;
	[tilespmem:$0x19D00] =	vst v63  }
0x8f: {  	_ =	swait.ge [sflag:s23], $0x1800  }
0x90: {  	[sflag:s23] =	ssyncset.done $0x0  }
0x91: {  	s30 =	simm.s32 $0x4E00;
	[sflag:s23] =	ssyncadd.s32 $0xFFFFE800  }
0x92: {  	[spmem:s3] =	stream.indirect.scatter.add.f32 [tilespmem:s17], [sflag:$0x5], $0x30, s30, s16, $0xb8;
	[tilespmem:$0x19D00] =	vst v63  }
0x93: {  	_ =	swait.ge [sflag:s26], $0x1800  }
0x94: {  	[sflag:s26] =	ssyncset.done $0x0  }
0x95: {  	s1 =	simm.s32 $0x4E80;
	[sflag:s26] =	ssyncadd.s32 $0xFFFFE800  }
0x96: {  	[spmem:s3] =	stream.indirect.scatter.add.f32 [tilespmem:s18], [sflag:$0x6], $0x30, s1, s16, $0xb8;
	[tilespmem:$0x19D00] =	vst v63  }
0x97: {  	_ =	swait.ge [sflag:s31], $0x1800  }
0x98: {  	[sflag:s31] =	ssyncset.done $0x0  }
0x99: {  	s30 =	simm.s32 $0x4F00;
	[sflag:s31] =	ssyncadd.s32 $0xFFFFE800  }
0x9a: {  	[spmem:s3] =	stream.indirect.scatter.add.f32 [tilespmem:s20], [sflag:$0x7], $0x30, s30, s16, $0xb8;
	[tilespmem:$0x19D00] =	vst v63  }
0x9b: {  	_ =	swait.ge [sflag:s19], $0x1800  }
0x9c: {  	[sflag:s19] =	ssyncset.done $0x0  }
0x9d: {  	[sflag:s19] =	ssyncadd.s32 $0xFFFFE800  }
0x9e: {  	[spmem:s3] =	stream.indirect.scatter.add.f32 [tilespmem:s22], [sflag:$0x8], $0x30, s21, s16, $0xb8;
	[tilespmem:$0x19D00] =	vst v63  }
0x9f: {  	_ =	swait.ge [sflag:s24], $0x1800  }
0xa0: {  	[sflag:s24] =	ssyncset.done $0x0  }
0xa1: {  	[sflag:s24] =	ssyncadd.s32 $0xFFFFE800  }
0xa2: {  	_ =	swait.ge [sflag:s29], $0x1800  }
0xa3: {  	[sflag:s29] =	ssyncset.done $0x0  }
0xa4: {  	[sflag:s29] =	ssyncadd.s32 $0xFFFFE800  }
0xa5: {  	_ =	swait.ge [sflag:s2], $0x1800  }
0xa6: {  	[sflag:s2] =	ssyncset.done $0x0  }
0xa7: {  	[sflag:s2] =	ssyncadd.s32 $0xFFFFE800  }
0xa8: {  	_ =	swait.ge [sflag:s25], $0x1800  }
0xa9: {  	s28 =	sadd.s32 $0x1, s28;
	[sflag:s25] =	ssyncset.done $0x0  }
0xaa: {  	p0 =	sne.s32 s28, s10;
	[sflag:s25] =	ssyncadd.s32 $0xFFFFE800  }
.Ltmp1:
0xab: {  	[bflag:$0x0] =	sbarrier.arrive $0xFFFF;
	(pc) =	sbr.rel @p0 .LBB2_1-.Ltmp1, $4  }
0xac: {  	[hbm:s9], [sflag:s13] =	dma.local [spmem:s14], $0xED0  }
0xad: {  	_ =	swait.ge [sflag:s11], $0xED0  }
0xae: {  	[sflag:s11] =	ssyncset.done $0x0  }
0xaf: {  	[sflag:s11] =	ssyncadd.s32 $0xFFFFF130  }
0xb0: {  	_ =	sfence.sel $0x180000  }
0xb1: {  	[bflag:$0x0] =	sbarrier.arrive $0xFFFF  }
0xb2: {  	_ =	strace $0x9000004A  }
0xb3: {  	s0 =	stileid.u32;
	[bflag:$0x2] =	sbarrier.arrive $0xFFFF  }
0xb4: {  	p0 =	sne.s32 s0, $0x0;
	s0 =	rddreg [dreg:$0x5]  }
0xb5: {  	s0 =	sadd.s32 @!p0 $0x100000, s0  }
0xb6: {  	[sflag:s0] =	ssyncadd.tile.s32 @!p0 $0x1;
	_ =	shalt  }
.Lfunc_end2:
_tile_overlayer_lowered:
.L_overlay_start_2:
0xb7: {  	(tag) =	ssettag $0x2  }
0xb8: {  	s0 =	rddreg [dreg:$0x0];
	s2 =	stileid.u32  }
0xb9: {  	s1 =	rddreg [dreg:$0x1];
	p0 =	sne.s32 s2, $0x0  }
0xba: {  	s3 =	rddreg [dreg:$0x2];
	[bflag:$0x3] =	sbarrier.arrive $0xFFFF;
	s2 =	simm.s32 @!p0 $0x1C09  }
0xbb: {  	[timem:s3], [sflag:s2] =	dma.local @!p0 [hbm:s0], s1  }
0xbc: {  	s0 =	simm.s32 @!p0 $0x9  }
0xbd: {  	_ =	swait.ge @!p0 [sflag:s0], s1  }
0xbe: {  	s1 =	ssub.s32 @!p0 $0x0, s1;
	[sflag:s0] =	ssyncset.done @!p0 $0x0  }
0xbf: {  	[sflag:s0] =	ssyncadd.s32 @!p0 s1  }
0xc0: {  	[bflag:$0x3] =	sbarrier.arrive $0xFFFF  }
0xc1: {  	_ =	shalt  }

// kernel: kernel.5.cloned.1.call-start
scs
__scs_entry_jumppad:
0x0: {  	(pc) =	sbr.rel $0x88, $3  }
0x1: {  	(tag) =	ssettag $0x0;
	lr =	simm.s32 $0x1  }
0x2: {  	[smem:$0x3F9A] =	sst lr;
	_ =	strace $0xD0000000  }
0x3: {  	_ = 	snop  }
0x4: {  	_ = 	snop  }
0x5: {  	_ = 	snop  }
0x6: {  	_ = 	snop  }
0x7: {  	_ = 	snop  }
__scs_overlays_trampoline_lowered:
0x8: {  	[smem:$0x3FA9] =	sst s0  }
0x9: {  	[smem:$0x3FAA] =	sst s1  }
0xa: {  	[smem:$0x3FAB] =	sst s2  }
0xb: {  	[smem:$0x3FAC] =	sst s3  }
0xc: {  	[smem:$0x3FAD] =	sst s4  }
0xd: {  	[smem:$0x3FAE] =	sst s5  }
0xe: {  	[smem:$0x3FAF] =	sst s6  }
0xf: {  	[smem:$0x3FB0] =	sst s7  }
0x10: {  	[smem:$0x3FB1] =	sst s8  }
0x11: {  	[smem:$0x3FB2] =	sst s9;
	s0 =	simm.s32 @!p0 $0x0  }
0x12: {  	s1 =	sld [smem:$0x3F98];
	s0 =	simm.s32 @p0 $0x1  }
0x13: {  	[smem:$0x3FB3] =	sst s0;
	s0 =	simm.s32 @!p1 $0x0  }
0x14: {  	s2 =	sld [smem:$0x3F97];
	s0 =	simm.s32 @p1 $0x1  }
0x15: {  	[smem:$0x3FB4] =	sst s0;
	s0 =	simm.s32 @!p2 $0x0  }
0x16: {  	s3 =	sld [smem:$0x3FDB];
	s0 =	simm.s32 @p2 $0x1  }
0x17: {  	s4 =	simm.s32 $0x1BF5;
	[smem:$0x3FB6] =	sst s0  }
0x18: {  	s0 =	sld [smem:$0x3F99];
	_ =	swait.ge [sflag:s4], $0x0  }
0x19: {  	s7 =	sld [smem:$0x3F9A]  }
0x1a: {  	s8 =	sadd.s32 $0xFFFFE003, lr  }
0x1b: {  	s9 =	sadd.s32 $0xFFFFFEF7, lr;
	s5 =	simm.s32 $0xFFFFFFFF;
	p2 =	slt.u32 s8, $0xFFFFF086  }
0x1c: {  	p1 =	slt.u32 s9, $0xF7A;
	s5 =	simm.s32 @!p2 $0x0  }
0x1d: {  	s5 =	simm.s32 @p1 $0x1;
	p0 =	seq.s32 s7, s2  }
0x1e: {  	s7 =	smul.u32 @!p0 $0xF7A, s2;
	p2 =	seq.s32 @!p0 s5, $0x0  }
0x1f: {  	s9 =	smul.u32 $0xF7A, s1;
	s8 =	simm.s32 @!p0 $0x1BF5;
	p2 =	por !p2, p0  }
0x20: {  	[sflag:s8] =	ssyncset.s32 @!p0 $0xFFFFF086;
	s6 =	sadd.s32 @!p0 s3, s7;
	s7 =	simm.s32 @!p0 $0x108  }
0x21: {  	s3 =	sadd.s32 s3, s9;
	s6 =	sadd.s32 @!p0 $0x88, s6;
	s7 =	simm.s32 @p2 $0x1082  }
0x22: {  	[simem:s7], [sflag:s8] =	dma.local @!p0 [hbm:s6], $0xF7A  }
0x23: {  	s9 =	sor.u32 $0xD0000000, s2;
	s6 =	simm.s32 $0x108;
	_ =	swait.ge @!p0 [sflag:s8], $0x0  }
0x24: {  	s3 =	sadd.s32 $0x88, s3;
	s6 =	simm.s32 @!p1 $0x1082;
	[sflag:s4] =	ssyncset.s32 $0xFFFFF086  }
0x25: {  	[simem:s6], [sflag:s4] =	dma.local [hbm:s3], $0xF7A  }
0x26: {  	[smem:$0x3F9A] =	sst s1;
	(tag) =	ssettag s2;
	_ =	strace s9  }
0x27: {  	s1 =	sld [smem:$0x3FAA]  }
0x28: {  	s2 =	sld [smem:$0x3FAB]  }
0x29: {  	s4 =	sld [smem:$0x3FAD]  }
0x2a: {  	p0 =	seq.s32 s5, $0x0;
	s5 =	sld [smem:$0x3FAE]  }
0x2b: {  	s6 =	sld [smem:$0x3FAF]  }
0x2c: {  	s7 =	sld [smem:$0x3FB0]  }
0x2d: {  	s3 =	simm.s32 $0x108;
	s8 =	sld [smem:$0x3FB1]  }
0x2e: {  	s3 =	simm.s32 @!p0 $0x1082;
	s9 =	sld [smem:$0x3FB2]  }
0x2f: {  	lr =	sadd.s32 s0, s3;
	s0 =	sld [smem:$0x3FA9]  }
0x30: {  	s3 =	sld [smem:$0x3FAC]  }
0x31: {  	[smem:$0x3FB5] =	sst s10  }
0x32: {  	s10 =	sld [smem:$0x3FB3];
	_ =	sdelay $0x3  }
0x33: {  	p0 =	seq.s32 s10, $0x1;
	s10 =	sld [smem:$0x3FB5];
	_ =	sdelay $0x3  }
0x34: {  	[smem:$0x3FB5] =	sst s10  }
0x35: {  	s10 =	sld [smem:$0x3FB4];
	_ =	sdelay $0x3  }
0x36: {  	p1 =	seq.s32 s10, $0x1;
	s10 =	sld [smem:$0x3FB5];
	_ =	sdelay $0x3  }
0x37: {  	[smem:$0x3FB5] =	sst s10  }
0x38: {  	s10 =	sld [smem:$0x3FB6]  }
0x39: {  	_ = 	snop;
	(pc) =	sbr.ind lr, $3  }
0x3a: {  	_ = 	snop  }
0x3b: {  	_ = 	snop  }
0x3c: {  	p2 =	seq.s32 s10, $0x1;
	s10 =	sld [smem:$0x3FB5]  }
0x3d: {  	_ =	shalt  }
0x3e: {  	_ =	shalt  }
0x3f: {  	_ =	shalt  }
0x40: {  	_ =	shalt  }
0x41: {  	_ =	shalt  }
0x42: {  	_ =	shalt  }
0x43: {  	_ =	shalt  }
0x44: {  	_ =	shalt  }
0x45: {  	_ =	shalt  }
0x46: {  	_ =	shalt  }
0x47: {  	_ =	shalt  }
0x48: {  	_ =	shalt  }
0x49: {  	_ =	shalt  }
0x4a: {  	_ =	shalt  }
0x4b: {  	_ =	shalt  }
0x4c: {  	_ =	shalt  }
0x4d: {  	_ =	shalt  }
0x4e: {  	_ =	shalt  }
0x4f: {  	_ =	shalt  }
0x50: {  	_ =	shalt  }
0x51: {  	_ =	shalt  }
0x52: {  	_ =	shalt  }
0x53: {  	_ =	shalt  }
0x54: {  	_ =	shalt  }
0x55: {  	_ =	shalt  }
0x56: {  	_ =	shalt  }
0x57: {  	_ =	shalt  }
0x58: {  	_ =	shalt  }
0x59: {  	_ =	shalt  }
0x5a: {  	_ =	shalt  }
0x5b: {  	_ =	shalt  }
0x5c: {  	_ =	shalt  }
0x5d: {  	_ =	shalt  }
0x5e: {  	_ =	shalt  }
0x5f: {  	_ =	shalt  }
0x60: {  	_ =	shalt  }
0x61: {  	_ =	shalt  }
0x62: {  	_ =	shalt  }
0x63: {  	_ =	shalt  }
0x64: {  	_ =	shalt  }
0x65: {  	_ =	shalt  }
0x66: {  	_ =	shalt  }
0x67: {  	_ =	shalt  }
0x68: {  	_ =	shalt  }
0x69: {  	_ =	shalt  }
0x6a: {  	_ =	shalt  }
0x6b: {  	_ =	shalt  }
0x6c: {  	_ =	shalt  }
0x6d: {  	_ =	shalt  }
0x6e: {  	_ =	shalt  }
0x6f: {  	_ =	shalt  }
0x70: {  	_ =	shalt  }
0x71: {  	_ =	shalt  }
0x72: {  	_ =	shalt  }
0x73: {  	_ =	shalt  }
0x74: {  	_ =	shalt  }
0x75: {  	_ =	shalt  }
0x76: {  	_ =	shalt  }
0x77: {  	_ =	shalt  }
0x78: {  	_ =	shalt  }
0x79: {  	_ =	shalt  }
0x7a: {  	_ =	shalt  }
0x7b: {  	_ =	shalt  }
0x7c: {  	_ =	shalt  }
0x7d: {  	_ =	shalt  }
0x7e: {  	_ =	shalt  }
0x7f: {  	_ =	shalt  }
0x80: {  	_ =	shalt  }
0x81: {  	_ =	shalt  }
0x82: {  	_ =	shalt  }
0x83: {  	_ =	shalt  }
0x84: {  	_ =	shalt  }
0x85: {  	_ =	shalt  }
0x86: {  	_ =	shalt  }
0x87: {  	_ =	shalt  }
.Lfunc_end0:
.L_simem_size_0:
called_computation.1_lowered:
.L_overlay_start_0:
0x88: {  	s2 =	sld [smem:$0x3FD9]  }
0x89: {  	s3 =	sld [smem:$0x3FFE];
	_ =	sdelay $0x1  }
0x8a: {  	s1 =	srdreg.scid  }
0x8b: {  	s0 =	sand.u32 $0x1, s1  }
0x8c: {  	s14 =	sshll.u32 s0, $0xA;
	s2 =	sadd.s32 s3, s2  }
0x8d: {  	s2 =	sadd.s32 s2, s14  }
0x8e: {  	[smem:$0x3FC1] =	sst s2  }
0x8f: {  	_ = 	snop  }
0x90: {  	s2 =	sld [smem:$0x3FD0];
	_ =	sdelay $0x2  }
0x91: {  	s15 =	simm.s32 $0xA;
	s4 =	simm.s32 $0x10  }
0x92: {  	[smem:s4], [sflag:s15] =	dma.local [hbm:s2], $0x1  }
0x93: {  	_ =	swait.eq [sflag:s15], $0x1  }
0x94: {  	[sflag:s15] =	ssyncset.done $0x0  }
0x95: {  	s16 =	sld [smem:$0x10];
	[sflag:s15] =	ssyncadd.s32 $0xFFFFFFFF  }
0x96: {  	s17 =	sld [smem:$0x11];
	(tm) =	ssettm $0x1  }
0x97: {  	s18 =	sld [smem:$0x3FFB];
	_ =	sdelay $0x3  }
0x98: {  	_ =	strace s18  }
0x99: {  	s4 =	sld [smem:$0x3FFC];
	_ =	sdelay $0x3  }
0x9a: {  	_ =	strace s4  }
0x9b: {  	s4 =	sld [smem:$0x3FFD];
	_ =	sdelay $0x3  }
0x9c: {  	_ =	strace s4  }
0x9d: {  	_ =	strace $0x8FFFFFFF  }
0x9e: {  	s19 =	sld [smem:$0x3FDB];
	_ =	sdelay $0x1  }
0x9f: {  	s5 =	simm.s32 $_scs_section_size  }
0xa0: {  	s6 =	simm.s32 $_size__tile_overlayer_lowered;
	s7 =	simm.s32 $_tile_overlayer_lowered  }
0xa1: {  	s22 =	simm.s32 $0x1BFF;
	s21 =	sshll.u32 s7, $0x1;
	s4 =	sadd.s32 s5, s19  }
0xa2: {  	s8 =	simm.s32 $0x0;
	s20 =	sshll.u32 s6, $0x1;
	s6 =	sadd.s32 s21, s4  }
0xa3: {  	[timem:s8], [sflag:s22] =	dma.local [hbm:s6], s20  }
0xa4: {  	_ =	swait.ge [sflag:s22], s20  }
0xa5: {  	s5 =	ssub.s32 $0x0, s20;
	[sflag:s22] =	ssyncset.done $0x0  }
0xa6: {  	[sflag:s22] =	ssyncadd.s32 s5;
	_ =	sdelay $0x1  }
0xa7: {  	s23 =	simm.s32 $0x1B8B  }
0xa8: {  	_ =	swait.ge [sflag:s23], $0x1  }
0xa9: {  	[sflag:s23] =	ssyncset.done $0x0  }
0xaa: {  	s25 =	simm.s32 $0x1B8E;
	s24 =	sld [smem:$0x3FFE];
	[sflag:s23] =	ssyncadd.s32 $0xFFFFFFFF  }
0xab: {  	s26 =	simm.s32 $execute0_lowered;
	[smem:$0x3FD2] =	sst s25  }
0xac: {  	s6 =	sshll.u32 s26, $0x1;
	_ =	strace $0x80000046;
	[dreg:$0x1] =	wrdreg $0xFFFFFFFF  }
0xad: {  	s28 =	simm.s32 $_size_execute0_lowered;
	s4 =	sadd.s32 s4, s6;
	[dreg:$0x0] =	wrdreg $0x0  }
0xae: {  	s6 =	sshll.u32 s28, $0x1;
	[dreg:$0x2] =	wrdreg s4  }
0xaf: {  	[dreg:$0x3] =	wrdreg s6  }
0xb0: {  	[dreg:$0x4] =	wrdreg $0xC0  }
0xb1: {  	_ =	task [dreg:s8], $0x5FFFF  }
0xb2: {  	[dreg:$0x1] =	wrdreg $0xFFFFFFFF  }
0xb3: {  	[dreg:$0x0] =	wrdreg $0x60  }
0xb4: {  	[dreg:$0x2] =	wrdreg s17  }
0xb5: {  	[dreg:$0x3] =	wrdreg s16  }
0xb6: {  	[dreg:$0x4] =	wrdreg s24  }
0xb7: {  	[dreg:$0x5] =	wrdreg $0x9  }
0xb8: {  	_ =	task.clear_ibuf [dreg:s8], $0x6FFFF;
	_ =	strace $0x90000046  }
0xb9: {  	s29 =	simm.s32 $0x9;
	_ =	strace $0x80000048  }
0xba: {  	_ =	swait.ge [sflag:s29], $0x1  }
0xbb: {  	[sflag:s29] =	ssyncadd.s32 $0xFFFFFFFF  }
0xbc: {  	_ =	strace $0x90000048  }
0xbd: {  	_ =	sfence  }
0xbe: {  	s30 =	sld [smem:$0x0];
	_ =	sdelay $0x2  }
0xbf: {  	s31 =	sshll.u32 s1, $0xD;
	s1 =	sshrl.u32 s1, $0x2  }
0xc0: {  	s3 =	sand.u32 $0x4000, s31;
	s1 =	sadd.s32 s1, s30  }
0xc1: {  	s0 =	sor.u32 s3, s0;
	s1 =	sshll.u32 s1, $0x11  }
0xc2: {  	s0 =	sor.u32 s1, s0  }
0xc3: {  	s0 =	sadd.s32 $0x8F2B, s0  }
0xc4: {  	[sflag:s0] =	ssyncadd.remote.s32 $0x1  }
0xc5: {  	_ =	sfence.sel $0xFFFF  }
0xc6: {  	[dreg:$0x0] =	wrdreg $0xFFFFFFFF;
	(pc) =	sbr.abs _section_cstart, $3  }
0xc7: {  	[dreg:$0x1] =	wrdreg $0xFFFFFFFF  }
0xc8: {  	_ =	task.clear_ibuf [dreg:s8], $0x2FFFF;
	_ =	strace $0x9FFFFFFF  }
0xc9: {  	(tm) =	ssettm $0x7FFFFFFF  }
tec
execute0_lowered:
.L_overlay_start_1:
0x0: {  	(tag) =	ssettag $0x1  }
0x1: {  	s0 =	srdreg.scid;
	s3 =	rddreg [dreg:$0x0]  }
0x2: {  	s5 =	rddreg [dreg:$0x1];
	s4 =	sand.u32 $0x1, s0  }
0x3: {  	s6 =	rddreg [dreg:$0x2];
	s0 =	stileid.u32;
	s1 =	sshll.u32 s4, $0x4  }
0x4: {  	s2 =	simm.s32 $0x0;
	s9 =	simm.s32 $0x5000;
	s7 =	sor.u32 s0, s1  }
0x5: {  	[smem:$0x7FF] =	sst s2;
	s4 =	ssub.s32 $0x2, s4;
	s7 =	smul.u32 $0x500, s7  }
0x6: {  	s10 =	simm.s32 $0x0;
	s1 =	rddreg [dreg:$0x3];
	s8 =	sshrl.u32 s4, $0x1  }
0x7: {  	_ =	strace $0x80000047;
	s8 =	ssub.s32 s4, s8;
	s6 =	sadd.s32 s7, s6  }
0x8: {  	s3 =	sadd.s32 s3, s7;
	s4 =	sadd.s32 s5, s7;
	s7 =	simm.s32 $0x1  }
0x9: {  	s5 =	sadd.s32 $0x2E00, s6;
	s6 =	smax.u32 s8, $0x1;
	s8 =	simm.s32 $0x2800  }
.LBB2_1:
0xa: {  	[tilespmem:s2], [sflag:$0x1] =	stream.linear.gather [hbm4b:s3+s2], $0x2800, $0x38;
	[tilespmem:$0x7800] =	vst v63  }
0xb: {  	_ =	swait.ge [sflag:s7], $0x2800  }
0xc: {  	[sflag:s7] =	ssyncset.done $0x0  }
0xd: {  	[sflag:s7] =	ssyncadd.s32 $0xFFFFD800  }
0xe: {  	[tilespmem:s8], [sflag:$0x1] =	stream.linear.gather [hbm4b:s4+s2], $0x2800, $0x38;
	[tilespmem:$0x7800] =	vst v63  }
0xf: {  	_ =	swait.ge [sflag:s7], $0x2800  }
0x10: {  	[sflag:s7] =	ssyncset.done $0x0  }
0x11: {  	s11 =	simm.s32 $0x0;
	[sflag:s7] =	ssyncadd.s32 $0xFFFFD800  }
0x12: {  	v0 =	vld [tilespmem:s11+$0x70]  }
0x13: {  	v1 =	vld [tilespmem:s11+$0x2870]  }
0x14: {  	v2 =	vld [tilespmem:s11+$0x0]  }
0x15: {  	v3 =	vld [tilespmem:s11+$0x2800]  }
0x16: {  	v4 =	vld [tilespmem:s11+$0x10]  }
0x17: {  	v5 =	vld [tilespmem:s11+$0x2810]  }
0x18: {  	v6 =	vld [tilespmem:s11+$0x20]  }
0x19: {  	v7 =	vld [tilespmem:s11+$0x30]  }
0x1a: {  	vm0 =	veq.s32 v0, v1;
	v0 =	vld [tilespmem:s11+$0x2820]  }
0x1b: {  	v8 =	vld [tilespmem:s11+$0x2830]  }
0x1c: {  	v9 =	vld [tilespmem:s11+$0x40]  }
0x1d: {  	v1 =	vsel vm0, $0x2710, v1;
	vm0 =	veq.s32 v2, v3;
	v2 =	vld [tilespmem:s11+$0x2840]  }
0x1e: {  	[tilespmem:s11+$0x5070] =	vst v1;
	v1 =	vsel vm0, $0x2710, v3;
	vm0 =	veq.s32 v4, v5;
	v3 =	vld [tilespmem:s11+$0x50]  }
0x1f: {  	v4 =	vld [tilespmem:s11+$0x2850];
	[tilespmem:s11+$0x5000] =	vst v1;
	v1 =	vsel vm0, $0x2710, v5;
	vm0 =	veq.s32 v6, v0  }
0x20: {  	v5 =	vld [tilespmem:s11+$0x2860];
	[tilespmem:s11+$0x5010] =	vst v1;
	v0 =	vsel vm0, $0x2710, v0;
	vm0 =	veq.s32 v7, v8  }
0x21: {  	s12 =	simm.s32 $0x80;
	[tilespmem:s11+$0x5020] =	vst v0;
	v0 =	vld [tilespmem:s11+$0x60];
	v6 =	vsel vm0, $0x2710, v8  }
0x22: {  	s13 =	simm.s32 $0x400;
	vm0 =	veq.s32 v9, v2;
	v1 =	vld [tilespmem:s12+$0x70];
	[tilespmem:s11+$0x5030] =	vst v6  }
.LBB2_2:
0x23: {  	p0 =	sne.s32 s13, $0x9E00;
	v6 =	vld [tilespmem:s12+$0x2870];
	v2 =	vsel vm0, $0x2710, v2  }
0x24: {  	v7 =	vld [tilespmem:s12+$0x0];
	[tilespmem:s11+$0x5040] =	vst v2;
	vm0 =	veq.s32 v3, v4  }
0x25: {  	v2 =	vld [tilespmem:s12+$0x2800];
	v3 =	vsel vm0, $0x2710, v4  }
0x26: {  	v4 =	vld [tilespmem:s12+$0x10];
	[tilespmem:s11+$0x5050] =	vst v3;
	vm0 =	veq.s32 v0, v5  }
0x27: {  	v0 =	vld [tilespmem:s12+$0x2810];
	v3 =	vsel vm0, $0x2710, v5  }
0x28: {  	v5 =	vld [tilespmem:s12+$0x20];
	vm0 =	veq.s32 v1, v6;
	[tilespmem:s11+$0x5060] =	vst v3;
	s11 =	smov.u32 s12  }
0x29: {  	v1 =	vld [tilespmem:s11+$0x2820];
	v3 =	vsel vm0, $0x2710, v6  }
0x2a: {  	vm0 =	veq.s32 v7, v2;
	v6 =	vld [tilespmem:s11+$0x30];
	[tilespmem:s11+$0x5070] =	vst v3  }
0x2b: {  	v2 =	vsel vm0, $0x2710, v2;
	v7 =	vld [tilespmem:s11+$0x2830]  }
0x2c: {  	[tilespmem:s11+$0x5000] =	vst v2;
	vm0 =	veq.s32 v4, v0;
	v8 =	vld [tilespmem:s11+$0x40]  }
0x2d: {  	v0 =	vsel vm0, $0x2710, v0;
	v2 =	vld [tilespmem:s11+$0x2840]  }
.Ltmp0:
0x2e: {  	[tilespmem:s11+$0x5010] =	vst v0;
	vm0 =	veq.s32 v5, v1;
	v3 =	vld [tilespmem:s11+$0x50];
	(pc) =	sbr.rel @p0 .LBB2_2-.Ltmp0, $4  }
0x2f: {  	v0 =	vsel vm0, $0x2710, v1;
	v4 =	vld [tilespmem:s11+$0x2850]  }
0x30: {  	[tilespmem:s11+$0x5020] =	vst v0;
	vm0 =	veq.s32 v6, v7;
	v0 =	vld [tilespmem:s11+$0x60]  }
0x31: {  	s12 =	sshra.s32 s13, $0x2;
	v6 =	vsel vm0, $0x2710, v7;
	v5 =	vld [tilespmem:s11+$0x2860]  }
0x32: {  	s13 =	sadd.s32 $0x200, s13;
	v1 =	vld [tilespmem:s12+$0x70];
	[tilespmem:s11+$0x5030] =	vst v6;
	vm0 =	veq.s32 v8, v2  }
0x33: {  	v6 =	vld [tilespmem:s12+$0x2870];
	v2 =	vsel vm0, $0x2710, v2  }
0x34: {  	v7 =	vld [tilespmem:s12+$0x0];
	[tilespmem:s11+$0x5040] =	vst v2;
	vm6 =	veq.s32 v3, v4  }
0x35: {  	v2 =	vld [tilespmem:s12+$0x2800];
	v3 =	vsel vm6, $0x2710, v4  }
0x36: {  	v49 =	vld [tilespmem:s12+$0x10];
	[tilespmem:s11+$0x5050] =	vst v3;
	vm7 =	veq.s32 v0, v5  }
0x37: {  	v50 =	vld [tilespmem:s12+$0x2810];
	v51 =	vsel vm7, $0x2710, v5  }
0x38: {  	v52 =	vld [tilespmem:s12+$0x20];
	[tilespmem:s11+$0x5060] =	vst v51  }
0x39: {  	v53 =	vld [tilespmem:s12+$0x2820]  }
0x3a: {  	v55 =	vld [tilespmem:s12+$0x30]  }
0x3b: {  	v56 =	vld [tilespmem:s12+$0x2830]  }
0x3c: {  	v57 =	vld [tilespmem:s12+$0x40]  }
0x3d: {  	v58 =	vld [tilespmem:s12+$0x2840]  }
0x3e: {  	v59 =	vld [tilespmem:s12+$0x50]  }
0x3f: {  	vm8 =	veq.s32 v1, v6;
	v60 =	vld [tilespmem:s12+$0x2850]  }
0x40: {  	v54 =	vsel vm8, $0x2710, v6;
	v61 =	vld [tilespmem:s12+$0x60];
	vm9 =	veq.s32 v7, v2  }
0x41: {  	v62 =	vld [tilespmem:s12+$0x2860];
	[tilespmem:s12+$0x5070] =	vst v54;
	v2 =	vsel vm9, $0x2710, v2;
	vm10 =	veq.s32 v49, v50  }
0x42: {  	[tilespmem:s12+$0x5000] =	vst v2;
	v0 =	vsel vm10, $0x2710, v50;
	vm11 =	veq.s32 v52, v53  }
0x43: {  	[tilespmem:s12+$0x5010] =	vst v0;
	vm12 =	veq.s32 v55, v56;
	v1 =	vsel vm11, $0x2710, v53  }
0x44: {  	vm13 =	veq.s32 v57, v58;
	v3 =	vsel vm12, $0x2710, v56;
	[tilespmem:s12+$0x5020] =	vst v1  }
0x45: {  	vm14 =	veq.s32 v59, v60;
	v2 =	vsel vm13, $0x2710, v58;
	[tilespmem:s12+$0x5030] =	vst v3  }
0x46: {  	s10 =	sadd.s32 $0x1, s10;
	vm15 =	veq.s32 v61, v62;
	v0 =	vsel vm14, $0x2710, v60;
	[tilespmem:s12+$0x5040] =	vst v2  }
0x47: {  	p0 =	sne.s32 s10, s6;
	v63 =	vsel vm15, $0x2710, v62;
	[tilespmem:s12+$0x5050] =	vst v0  }
.Ltmp1:
0x48: {  	[tilespmem:s12+$0x5060] =	vst v63;
	(pc) =	sbr.rel @p0 .LBB2_1-.Ltmp1, $4  }
0x49: {  	[hbm4b:s5+s2] =	stream.linear.scatter [tilespmem:s9], [sflag:$0x1], $0x2800, $0x38;
	[tilespmem:$0x7800] =	vst v63  }
0x4a: {  	_ =	swait.ge [sflag:s7], $0x2800  }
0x4b: {  	[sflag:s7] =	ssyncset.done $0x0  }
0x4c: {  	[sflag:s7] =	ssyncadd.s32 $0xFFFFD800  }
0x4d: {  	_ =	sfence.sel $0x180000  }
0x4e: {  	[bflag:$0x0] =	sbarrier.arrive $0xFFFF  }
0x4f: {  	p0 =	sne.s32 s0, $0x0;
	_ =	strace $0x90000047  }
0x50: {  	s0 =	sadd.s32 @!p0 $0x100000, s1;
	[bflag:$0x2] =	sbarrier.arrive $0xFFFF  }
0x51: {  	[sflag:s0] =	ssyncadd.tile.s32 @!p0 $0x1;
	_ =	shalt  }
.Lfunc_end2:
_tile_overlayer_lowered:
.L_overlay_start_2:
0x52: {  	(tag) =	ssettag $0x2  }
0x53: {  	s0 =	rddreg [dreg:$0x0];
	s2 =	stileid.u32  }
0x54: {  	s1 =	rddreg [dreg:$0x1];
	p0 =	sne.s32 s2, $0x0  }
0x55: {  	s3 =	rddreg [dreg:$0x2];
	[bflag:$0x3] =	sbarrier.arrive $0xFFFF;
	s2 =	simm.s32 @!p0 $0x1C01  }
0x56: {  	[timem:s3], [sflag:s2] =	dma.local @!p0 [hbm:s0], s1  }
0x57: {  	s0 =	simm.s32 @!p0 $0x1  }
0x58: {  	_ =	swait.ge @!p0 [sflag:s0], s1  }
0x59: {  	s1 =	ssub.s32 @!p0 $0x0, s1;
	[sflag:s0] =	ssyncset.done @!p0 $0x0  }
0x5a: {  	[sflag:s0] =	ssyncadd.s32 @!p0 s1  }
0x5b: {  	[bflag:$0x3] =	sbarrier.arrive $0xFFFF  }
0x5c: {  	_ =	shalt  }

</sc_bundles>
